<compile_context>
chip_gen: v7x
topology: tpu7x:2x2x1
jax: 0.10.2.dev20260603
libtpu: 0.0.44.dev20260713+nightly
codegen_flags: <defaults>
</compile_context>

<pallas_src>
import functools

import jax
import jax.numpy as jnp
from jax import lax
from jax.experimental import pallas as pl
from jax.experimental.pallas import tpu as pltpu

B = 1024
EMB = 32
SEQ = 20
FLOW = 10
NBIG = 4
NSMALL = 12
PAD_LOGIT = float(-2.0 ** 30 + 1)

_SMALL_SLOT = (0, 1, 2, 3, 4, 5, 6, 7, 8, 0, 1, 2)
_SMALL_TABLES = ('wday', 'hour', 'min', 'gender', 'age', 'province',
                 'cate_two', 'cate_one', 'up_type')

_ITEM_FIELDS = ('vid', 'aid', 'cate_two', 'cate_one', 'up_type')


def _din_body(ci_seq_ref, ci_flow_ref, fmask_ref, len_ref,
              vblk_ref, w1_ref, b1_ref, w2_ref,
              seq_mean_ref, rep_mean_ref, *, bb):
    f32 = jnp.float32
    iota = lax.broadcasted_iota(jnp.int32, (1, 128), 1)

    def onehot5(ref, cols):
        acc = (ref[:, cols[0]:cols[0] + 1] == iota).astype(f32)
        for c in cols[1:]:
            acc = acc + (ref[:, c:c + 1] == iota).astype(f32)
        return acc

    vblk = vblk_ref[...]
    w1 = w1_ref[...]
    tf = jnp.dot(vblk, w1[0:160], preferred_element_type=f32)
    ts = jnp.dot(vblk, w1[160:320], preferred_element_type=f32)

    os_ = onehot5(ci_seq_ref, list(range(5)))
    seqpart = jnp.dot(os_, ts, preferred_element_type=f32) + b1_ref[...]

    w2row = w2_ref[...]
    ohs = []
    logits = []
    for j in range(FLOW):
        oh = onehot5(ci_flow_ref, [5 * j + f for f in range(5)])
        ohs.append(oh)
        h = jnp.maximum(
            jnp.dot(oh, tf, preferred_element_type=f32) + seqpart, 0.0)
        logits.append(jnp.sum(h * w2row, axis=1, keepdims=True))
    lg = jnp.concatenate(logits, axis=1)
    lg = jnp.where(fmask_ref[...] != 0, lg, PAD_LOGIT)
    m = jnp.max(lg, axis=1, keepdims=True)
    e = jnp.exp(lg - m)
    scores = e / jnp.sum(e, axis=1, keepdims=True)

    wacc = scores[:, 0:1] * ohs[0]
    for j in range(1, FLOW):
        wacc = wacc + scores[:, j:j + 1] * ohs[j]

    lenf = len_ref[...]
    wb = jnp.sum(wacc.reshape(bb, SEQ, 128), axis=1) / lenf
    ob = jnp.sum(os_.reshape(bb, SEQ, 128), axis=1) / lenf
    rep_mean_ref[...] = jnp.dot(wb, vblk, preferred_element_type=f32)
    seq_mean_ref[...] = jnp.dot(ob, vblk, preferred_element_type=f32)


def _tc_din(ci_seq, ci_flow, fmask, len_f, vblk, w1, b1, w2row):
    bb = 128
    grid = (B // bb,)
    r = bb * SEQ
    full = lambda shape: pl.BlockSpec(shape, lambda i: tuple(0 for _ in shape))
    row = lambda shape: pl.BlockSpec(shape, lambda i: (i,) + (0,) * (len(shape) - 1))
    out = pl.pallas_call(
        functools.partial(_din_body, bb=bb),
        grid=grid,
        in_specs=[
            row((r, 5)), row((r, 50)), row((r, 10)), row((bb, 1)),
            full((128, 160)), full((320, 80)), full((1, 80)), full((1, 80)),
        ],
        out_specs=[row((bb, 160)), row((bb, 160))],
        out_shape=[jax.ShapeDtypeStruct((B, 160), jnp.float32),
                   jax.ShapeDtypeStruct((B, 160), jnp.float32)],
    )(ci_seq, ci_flow, fmask, len_f, vblk, w1, b1, w2row)
    return out


def _enc_body(idxs_ref, idxb_ref, idxbt_ref, seq_mean_ref, rep_mean_ref,
              w0, w1_, w2_, w3_,
              t0, t1, t2, t3, t4, t5, t6, t7, t8,
              wu1_ref, bu1_ref, wu2_ref, bu2_ref, wu3_ref, bu3_ref,
              wp1_ref, bp1_ref, wp2_ref, bp2_ref, wp3_ref, bp3_ref,
              out_ref, gbw, sem):
    f32 = jnp.float32
    tabs = (t0, t1, t2, t3, t4, t5, t6, t7, t8)
    wides = (w0, w1_, w2_, w3_)

    def issue(rr, c):
        for k in range(NBIG):
            r4 = idxb_ref[k, rr] // 4
            pltpu.async_copy(wides[k].at[pl.ds(r4, 1), :],
                             gbw.at[k, pl.ds(rr, 1), :], sem)
        return c
    lax.fori_loop(0, B, issue, 0)

    def small_emb(k):
        tab = tabs[_SMALL_SLOT[k]]
        n = tab.shape[0]
        iota = lax.broadcasted_iota(jnp.int32, (1, n), 1)
        oh = (idxs_ref[:, k:k + 1] == iota).astype(f32)
        return jnp.dot(oh, tab[...], preferred_element_type=f32)

    sembs = [small_emb(k) for k in range(NSMALL)]

    for k in range(NBIG):
        pltpu.make_async_copy(
            wides[k].at[pl.ds(0, B), :], gbw.at[k], sem).wait()

    def big_emb(k):
        wk = gbw[k]
        q = idxbt_ref[:, k:k + 1] % 4
        acc = jnp.where(q == 0, wk[:, 0:EMB], 0.0)
        for t in range(1, 4):
            acc = acc + jnp.where(q == t, wk[:, t * EMB:(t + 1) * EMB], 0.0)
        return acc

    gb = [big_emb(k) for k in range(NBIG)]

    uhead = jnp.concatenate(
        [sembs[0], sembs[1], sembs[2], gb[0], gb[1],
         sembs[3], sembs[4], sembs[5]], axis=1)
    p_in = jnp.concatenate(
        [gb[2], gb[3], sembs[6], sembs[7], sembs[8],
         sembs[9], sembs[10], sembs[11]], axis=1)
    u_in = jnp.concatenate([uhead, seq_mean_ref[...], rep_mean_ref[...]],
                           axis=1)

    u = jnp.maximum(jnp.dot(u_in, wu1_ref[...], preferred_element_type=f32)
                    + bu1_ref[...], 0.0)
    u = jnp.maximum(jnp.dot(u, wu2_ref[...], preferred_element_type=f32)
                    + bu2_ref[...], 0.0)
    u = jnp.dot(u, wu3_ref[...], preferred_element_type=f32) + bu3_ref[...]

    p = jnp.maximum(jnp.dot(p_in, wp1_ref[...], preferred_element_type=f32)
                    + bp1_ref[...], 0.0)
    p = jnp.maximum(jnp.dot(p, wp2_ref[...], preferred_element_type=f32)
                    + bp2_ref[...], 0.0)
    p = jnp.dot(p, wp3_ref[...], preferred_element_type=f32) + bp3_ref[...]

    out_ref[...] = jnp.sum(u * p, axis=1, keepdims=True)


def _tc_enc(idx_small_t, idx_big, seq_mean, rep_mean, wide_tabs, small_tabs,
            enc_params):
    full = lambda shape: pl.BlockSpec(shape, lambda: tuple(0 for _ in shape))
    in_specs = [full((B, NSMALL)),
                pl.BlockSpec(memory_space=pltpu.SMEM),
                full((B, NBIG)),
                full((B, 160)), full((B, 160))]
    args = [idx_small_t, idx_big, idx_big.T, seq_mean, rep_mean]
    for t in wide_tabs:
        in_specs.append(pl.BlockSpec(memory_space=pl.ANY))
        args.append(t)
    for t in small_tabs:
        in_specs.append(full(t.shape))
        args.append(t)
    for (W, bvec) in enc_params:
        in_specs.append(full(W.shape))
        in_specs.append(full((1, W.shape[1])))
        args.append(W)
        args.append(bvec.reshape(1, -1))
    out = pl.pallas_call(
        _enc_body,
        in_specs=in_specs,
        out_specs=full((B, 1)),
        out_shape=jax.ShapeDtypeStruct((B, 1), jnp.float32),
        scratch_shapes=[pltpu.VMEM((NBIG, B, 128), jnp.float32),
                        pltpu.SemaphoreType.DMA],
    )(*args)
    return out.reshape(B)


def kernel(request_wday, request_hour, request_min, uid, did, gender, age,
           province, vid, aid, cate_two, cate_one, upload_type,
           upload_ts_wday, upload_ts_hour, upload_ts_min, seq_arr, seq_mask,
           seq_len, flow_seq_arr, flow_seq_mask, params):
    del seq_mask

    idx_big = jnp.stack([uid, did, vid, aid]).astype(jnp.int32)
    wide_tabs = [
        params['uid'][:1000000].reshape(250000, 128),
        params['did'][:100000].reshape(25000, 128),
        params['vid'][:1000000].reshape(250000, 128),
        params['aid'][:100000].reshape(25000, 128),
    ]

    idx_small_t = jnp.stack([
        request_wday, request_hour, request_min, gender, age, province,
        cate_two, cate_one, upload_type,
        upload_ts_wday, upload_ts_hour, upload_ts_min,
    ], axis=1).astype(jnp.int32)
    small_tabs = [params[n] for n in _SMALL_TABLES]

    vblk = jnp.zeros((128, 160), jnp.float32)
    for f, name in enumerate(_ITEM_FIELDS):
        vblk = vblk.at[f * 20:(f + 1) * 20, f * 32:(f + 1) * 32].set(
            params[name][:20])

    offs = jnp.arange(5, dtype=jnp.int32) * 20
    ci_seq = (seq_arr.astype(jnp.int32) + offs).reshape(B * SEQ, 5)
    ci_flow = (flow_seq_arr.astype(jnp.int32) + offs).reshape(B * SEQ, FLOW * 5)
    fmask = flow_seq_mask.astype(jnp.int32).reshape(B * SEQ, FLOW)
    len_f = seq_len.astype(jnp.float32).reshape(B, 1)

    (w1, b1), (w2, _b2) = params['carm']
    seq_mean, rep_mean = _tc_din(ci_seq, ci_flow, fmask, len_f, vblk,
                                 w1, b1.reshape(1, -1), w2.reshape(1, -1))

    enc_params = list(params['user_enc']) + list(params['photo_enc'])
    return _tc_enc(idx_small_t, idx_big, seq_mean, rep_mean, wide_tabs,
                   small_tabs, enc_params)

# --- scband reference (transcript-rebuilt; emitter-appended) ---
"""Pipeline reference for scband-dssm-ubm-60859686584665 (READ-ONLY COPY).

The authoritative reference and input builder live on the scoring server;
editing this copy changes nothing except your own understanding.
"""

import jax, jax.numpy as jnp
import numpy as np

B = 1024
EMB = 32
SEQ = 20
FLOW = 10
SIZES = {'wday': 9, 'hour': 26, 'min': 62, 'uid': 1000002, 'did': 100002,
         'gender': 4, 'age': 102, 'province': 66, 'vid': 1000002, 'aid': 100002,
         'cate_two': 1002, 'cate_one': 102, 'up_type': 22}


def _linear(key, fan_in, fan_out):
    k1, k2 = jax.random.split(key)
    lim = 1.0 / np.sqrt(fan_in)
    W = jax.random.uniform(k1, (fan_in, fan_out), minval=-lim, maxval=lim, dtype=jnp.float32)
    b = jax.random.uniform(k2, (fan_out,), minval=-lim, maxval=lim, dtype=jnp.float32)
    return (W, b)


def _mlp_params(key, dims):
    keys = jax.random.split(key, len(dims) - 1)
    return [_linear(k, dims[i], dims[i + 1]) for i, k in enumerate(keys)]


def setup_inputs(seed: int = 0):
    key = jax.random.key(seed)
    keys = jax.random.split(key, 64)
    ctr = iter(range(64))
    def nk():
        return keys[next(ctr)]
    def ri(shape, hi, lo=0):
        return jax.random.randint(nk(), shape, lo, hi, dtype=jnp.int32)
    inp = {}
    inp['request_wday'] = ri((B,), 7)
    inp['request_hour'] = ri((B,), 24)
    inp['request_min'] = ri((B,), 60)
    inp['uid'] = ri((B,), 1000000)
    inp['did'] = ri((B,), 100000)
    inp['gender'] = ri((B,), 2)
    inp['age'] = ri((B,), 100)
    inp['province'] = ri((B,), 64)
    inp['vid'] = ri((B,), 1000000)
    inp['aid'] = ri((B,), 100000)
    inp['cate_two'] = ri((B,), 1000)
    inp['cate_one'] = ri((B,), 100)
    inp['upload_type'] = ri((B,), 20)
    inp['upload_ts_wday'] = ri((B,), 7)
    inp['upload_ts_hour'] = ri((B,), 24)
    inp['upload_ts_min'] = ri((B,), 60)
    inp['seq_arr'] = ri((B, SEQ, 5), 20)
    inp['seq_mask'] = jax.random.uniform(nk(), (B, SEQ), dtype=jnp.float32)
    inp['seq_len'] = ri((B,), SEQ + 1, lo=1)
    inp['flow_seq_arr'] = ri((B, SEQ, FLOW, 5), 20)
    inp['flow_seq_mask'] = ri((B, SEQ, FLOW), 2)
    params = {}
    for name, n in SIZES.items():
        t = jax.random.normal(nk(), (n, EMB), dtype=jnp.float32)
        t = t.at[0].set(0.0)
        if name == 'cate_one':
            t = t.at[2].set(0.0)
        params[name] = t
    params['carm'] = _mlp_params(nk(), [EMB * 10, 80, 1])
    params['user_enc'] = _mlp_params(nk(), [EMB * 18, 128, 64, 32])
    params['photo_enc'] = _mlp_params(nk(), [EMB * 8, 128, 64, 32])
    inp['params'] = params
    return inp


def reference(request_wday, request_hour, request_min, uid, did, gender, age, province,
              vid, aid, cate_two, cate_one, upload_type, upload_ts_wday, upload_ts_hour,
              upload_ts_min, seq_arr, seq_mask, seq_len, flow_seq_arr, flow_seq_mask, params):
    def emb(name, idx):
        return jnp.take(params[name], idx, axis=0)
    def mlp(ps, x):
        n = len(ps)
        for i, (W, b) in enumerate(ps):
            x = x @ W + b
            if i < n - 1:
                x = jax.nn.relu(x)
        return x
    req_wda = emb('wday', request_wday)
    req_hou = emb('hour', request_hour)
    req_mnu = emb('min', request_min)
    uid_e = emb('uid', uid)
    did_e = emb('did', did)
    gen_e = emb('gender', gender)
    age_e = emb('age', age)
    pro_e = emb('province', province)
    vid_e = emb('vid', vid)
    aid_e = emb('aid', aid)
    ct2_e = emb('cate_two', cate_two)
    ct1_e = emb('cate_one', cate_one)
    up_e = emb('up_type', upload_type)
    up_wda = emb('wday', upload_ts_wday)
    up_hou = emb('hour', upload_ts_hour)
    up_mnu = emb('min', upload_ts_min)
    seq_len_f = seq_len.astype(jnp.float32)[:, None]
    seq_emb = jnp.concatenate([emb('vid', seq_arr[:, :, 0]), emb('aid', seq_arr[:, :, 1]),
                               emb('cate_two', seq_arr[:, :, 2]), emb('cate_one', seq_arr[:, :, 3]),
                               emb('up_type', seq_arr[:, :, 4])], axis=2)
    seq_emb_mean = jnp.sum(seq_emb, axis=1) / seq_len_f
    flow_emb = jnp.concatenate([emb('vid', flow_seq_arr[:, :, :, 0]), emb('aid', flow_seq_arr[:, :, :, 1]),
                                emb('cate_two', flow_seq_arr[:, :, :, 2]), emb('cate_one', flow_seq_arr[:, :, :, 3]),
                                emb('up_type', flow_seq_arr[:, :, :, 4])], axis=3)
    seq_emb_4dim = jnp.broadcast_to(seq_emb[:, :, None, :], (seq_emb.shape[0], seq_emb.shape[1], FLOW, seq_emb.shape[2]))
    din_in = jnp.concatenate([flow_emb, seq_emb_4dim], axis=3)
    din_logits = mlp(params['carm'], din_in)
    din_logits = jnp.swapaxes(din_logits, 3, 2)
    padding_num = jnp.float32(-2 ** 30 + 1)
    mask = (flow_seq_mask != 0)[:, :, None, :]
    din_logits = jnp.where(mask, din_logits, padding_num)
    scores = jax.nn.softmax(din_logits, axis=3)
    rep = jnp.squeeze(jnp.matmul(scores, flow_emb), axis=2)
    rep_mean = jnp.sum(rep, axis=1) / seq_len_f
    u_in = jnp.concatenate([req_wda, req_hou, req_mnu, uid_e, did_e, gen_e, age_e, pro_e, seq_emb_mean, rep_mean], axis=1)
    p_in = jnp.concatenate([vid_e, aid_e, ct2_e, ct1_e, up_e, up_wda, up_hou, up_mnu], axis=1)
    u_out = mlp(params['user_enc'], u_in)
    p_out = mlp(params['photo_enc'], p_in)
    return jnp.sum(u_out * p_out, axis=1)

if __name__ == "__main__":
    import jax
    _d = setup_inputs()
    print(jax.jit(kernel)(*tuple(_d.values())))

</pallas_src>

<mosaic_0001>
module attributes {stable_mosaic.version = 14 : i64} {
  func.func @_din_body(%arg0: i32, %arg1: memref<2560x5xi32, #tpu.memory_space<vmem>>, %arg2: memref<2560x50xi32, #tpu.memory_space<vmem>>, %arg3: memref<2560x10xi32, #tpu.memory_space<vmem>>, %arg4: memref<128x1xf32, #tpu.memory_space<vmem>>, %arg5: memref<128x160xf32, #tpu.memory_space<vmem>>, %arg6: memref<320x80xf32, #tpu.memory_space<vmem>>, %arg7: memref<1x80xf32, #tpu.memory_space<vmem>>, %arg8: memref<1x80xf32, #tpu.memory_space<vmem>>, %arg9: memref<128x160xf32, #tpu.memory_space<vmem>>, %arg10: memref<128x160xf32, #tpu.memory_space<vmem>>) attributes {dimension_semantics = [#tpu.dimension_semantics<arbitrary>], iteration_bounds = array<i64: 8>, scalar_prefetch = 0 : i64, scratch_operands = 0 : i64, tpu.core_type = #tpu.core_type<tc>, window_params = [{transform_indices = @transform_0, window_bounds = array<i64: 2560, 5>}, {transform_indices = @transform_1, window_bounds = array<i64: 2560, 50>}, {transform_indices = @transform_2, window_bounds = array<i64: 2560, 10>}, {transform_indices = @transform_3, window_bounds = array<i64: 128, 1>}, {pipeline_mode = #tpu.pipeline_mode<synchronous>, transform_indices = @transform_4, window_bounds = array<i64: 128, 160>}, {pipeline_mode = #tpu.pipeline_mode<synchronous>, transform_indices = @transform_5, window_bounds = array<i64: 320, 80>}, {pipeline_mode = #tpu.pipeline_mode<synchronous>, transform_indices = @transform_6, window_bounds = array<i64: 1, 80>}, {pipeline_mode = #tpu.pipeline_mode<synchronous>, transform_indices = @transform_7, window_bounds = array<i64: 1, 80>}, {transform_indices = @transform_8, window_bounds = array<i64: 128, 160>}, {transform_indices = @transform_9, window_bounds = array<i64: 128, 160>}]} {
    %iota3A = tpu.iota {dimensions = array<i32: 1>} : vector<1x128xi32>
    %get3A = arith.constant 0 : index
    %get3A_0 = arith.constant 0 : index
    %get3A_1 = vector.load %arg5[%get3A, %get3A_0] : memref<128x160xf32, #tpu.memory_space<vmem>>, vector<128x160xf32>
    %get3A_2 = arith.constant 0 : index
    %get3A_3 = arith.constant 0 : index
    %get3A_4 = vector.load %arg6[%get3A_2, %get3A_3] : memref<320x80xf32, #tpu.memory_space<vmem>>, vector<320x80xf32>
    %slice3A = vector.extract_strided_slice %get3A_4 {offsets = [0, 0], sizes = [160, 80], strides = [1, 1]} : vector<320x80xf32> to vector<160x80xf32>
    %dot_general3A = arith.constant dense<0.000000e+00> : vector<128x80xf32>
    %dot_general3A_5 = tpu.matmul %get3A_1, %slice3A, %dot_general3A {dimension_numbers = #tpu.dot_dimension_numbers<[1], [0], [0], [1], [0, 0, 1, 1], [], []>, transpose_lhs_hint = false} : vector<128x160xf32>, vector<160x80xf32>, vector<128x80xf32> -> vector<128x80xf32>
    %slice3A_6 = vector.extract_strided_slice %get3A_4 {offsets = [160, 0], sizes = [160, 80], strides = [1, 1]} : vector<320x80xf32> to vector<160x80xf32>
    %dot_general3A_7 = arith.constant dense<0.000000e+00> : vector<128x80xf32>
    %dot_general3A_8 = tpu.matmul %get3A_1, %slice3A_6, %dot_general3A_7 {dimension_numbers = #tpu.dot_dimension_numbers<[1], [0], [0], [1], [0, 0, 1, 1], [], []>, transpose_lhs_hint = false} : vector<128x160xf32>, vector<160x80xf32>, vector<128x80xf32> -> vector<128x80xf32>
    %get3A_9 = arith.constant 0 : index
    %get3A_10 = arith.constant 0 : index
    %get3A_11 = vector.load %arg1[%get3A_9, %get3A_10] : memref<2560x5xi32, #tpu.memory_space<vmem>>, vector<2560x1xi32>
    %eq3A = vector.broadcast %get3A_11 : vector<2560x1xi32> to vector<2560x128xi32>
    %eq3A_12 = vector.broadcast %iota3A : vector<1x128xi32> to vector<2560x128xi32>
    %eq3A_13 = arith.cmpi eq, %eq3A, %eq3A_12 : vector<2560x128xi32>
    %convert_element_type3A = arith.extui %eq3A_13 : vector<2560x128xi1> to vector<2560x128xi32>
    %convert_element_type3A_14 = arith.sitofp %convert_element_type3A : vector<2560x128xi32> to vector<2560x128xf32>
    %get3A_15 = arith.constant 0 : index
    %get3A_16 = arith.constant 1 : index
    %get3A_17 = vector.load %arg1[%get3A_15, %get3A_16] : memref<2560x5xi32, #tpu.memory_space<vmem>>, vector<2560x1xi32>
    %eq3A_18 = vector.broadcast %get3A_17 : vector<2560x1xi32> to vector<2560x128xi32>
    %eq3A_19 = vector.broadcast %iota3A : vector<1x128xi32> to vector<2560x128xi32>
    %eq3A_20 = arith.cmpi eq, %eq3A_18, %eq3A_19 : vector<2560x128xi32>
    %convert_element_type3A_21 = arith.extui %eq3A_20 : vector<2560x128xi1> to vector<2560x128xi32>
    %convert_element_type3A_22 = arith.sitofp %convert_element_type3A_21 : vector<2560x128xi32> to vector<2560x128xf32>
    %add3A = arith.addf %convert_element_type3A_14, %convert_element_type3A_22 : vector<2560x128xf32>
    %get3A_23 = arith.constant 0 : index
    %get3A_24 = arith.constant 2 : index
    %get3A_25 = vector.load %arg1[%get3A_23, %get3A_24] : memref<2560x5xi32, #tpu.memory_space<vmem>>, vector<2560x1xi32>
    %eq3A_26 = vector.broadcast %get3A_25 : vector<2560x1xi32> to vector<2560x128xi32>
    %eq3A_27 = vector.broadcast %iota3A : vector<1x128xi32> to vector<2560x128xi32>
    %eq3A_28 = arith.cmpi eq, %eq3A_26, %eq3A_27 : vector<2560x128xi32>
    %convert_element_type3A_29 = arith.extui %eq3A_28 : vector<2560x128xi1> to vector<2560x128xi32>
    %convert_element_type3A_30 = arith.sitofp %convert_element_type3A_29 : vector<2560x128xi32> to vector<2560x128xf32>
    %add3A_31 = arith.addf %add3A, %convert_element_type3A_30 : vector<2560x128xf32>
    %get3A_32 = arith.constant 0 : index
    %get3A_33 = arith.constant 3 : index
    %get3A_34 = vector.load %arg1[%get3A_32, %get3A_33] : memref<2560x5xi32, #tpu.memory_space<vmem>>, vector<2560x1xi32>
    %eq3A_35 = vector.broadcast %get3A_34 : vector<2560x1xi32> to vector<2560x128xi32>
    %eq3A_36 = vector.broadcast %iota3A : vector<1x128xi32> to vector<2560x128xi32>
    %eq3A_37 = arith.cmpi eq, %eq3A_35, %eq3A_36 : vector<2560x128xi32>
    %convert_element_type3A_38 = arith.extui %eq3A_37 : vector<2560x128xi1> to vector<2560x128xi32>
    %convert_element_type3A_39 = arith.sitofp %convert_element_type3A_38 : vector<2560x128xi32> to vector<2560x128xf32>
    %add3A_40 = arith.addf %add3A_31, %convert_element_type3A_39 : vector<2560x128xf32>
    %get3A_41 = arith.constant 0 : index
    %get3A_42 = arith.constant 4 : index
    %get3A_43 = vector.load %arg1[%get3A_41, %get3A_42] : memref<2560x5xi32, #tpu.memory_space<vmem>>, vector<2560x1xi32>
    %eq3A_44 = vector.broadcast %get3A_43 : vector<2560x1xi32> to vector<2560x128xi32>
    %eq3A_45 = vector.broadcast %iota3A : vector<1x128xi32> to vector<2560x128xi32>
    %eq3A_46 = arith.cmpi eq, %eq3A_44, %eq3A_45 : vector<2560x128xi32>
    %convert_element_type3A_47 = arith.extui %eq3A_46 : vector<2560x128xi1> to vector<2560x128xi32>
    %convert_element_type3A_48 = arith.sitofp %convert_element_type3A_47 : vector<2560x128xi32> to vector<2560x128xf32>
    %add3A_49 = arith.addf %add3A_40, %convert_element_type3A_48 : vector<2560x128xf32>
    %dot_general3A_50 = arith.constant dense<0.000000e+00> : vector<2560x80xf32>
    %dot_general3A_51 = tpu.matmul %add3A_49, %dot_general3A_8, %dot_general3A_50 {dimension_numbers = #tpu.dot_dimension_numbers<[1], [0], [0], [1], [0, 0, 1, 1], [], []>, transpose_lhs_hint = false} : vector<2560x128xf32>, vector<128x80xf32>, vector<2560x80xf32> -> vector<2560x80xf32>
    %get3A_52 = arith.constant 0 : index
    %get3A_53 = arith.constant 0 : index
    %get3A_54 = vector.load %arg7[%get3A_52, %get3A_53] : memref<1x80xf32, #tpu.memory_space<vmem>>, vector<1x80xf32>
    %add3A_55 = vector.broadcast %get3A_54 : vector<1x80xf32> to vector<2560x80xf32>
    %add3A_56 = arith.addf %dot_general3A_51, %add3A_55 : vector<2560x80xf32>
    %get3A_57 = arith.constant 0 : index
    %get3A_58 = arith.constant 0 : index
    %get3A_59 = vector.load %arg8[%get3A_57, %get3A_58] : memref<1x80xf32, #tpu.memory_space<vmem>>, vector<1x80xf32>
    %get3A_60 = arith.constant 0 : index
    %get3A_61 = arith.constant 0 : index
    %get3A_62 = vector.load %arg2[%get3A_60, %get3A_61] : memref<2560x50xi32, #tpu.memory_space<vmem>>, vector<2560x1xi32>
    %eq3A_63 = vector.broadcast %get3A_62 : vector<2560x1xi32> to vector<2560x128xi32>
    %eq3A_64 = vector.broadcast %iota3A : vector<1x128xi32> to vector<2560x128xi32>
    %eq3A_65 = arith.cmpi eq, %eq3A_63, %eq3A_64 : vector<2560x128xi32>
    %convert_element_type3A_66 = arith.extui %eq3A_65 : vector<2560x128xi1> to vector<2560x128xi32>
    %convert_element_type3A_67 = arith.sitofp %convert_element_type3A_66 : vector<2560x128xi32> to vector<2560x128xf32>
    %get3A_68 = arith.constant 0 : index
    %get3A_69 = arith.constant 1 : index
    %get3A_70 = vector.load %arg2[%get3A_68, %get3A_69] : memref<2560x50xi32, #tpu.memory_space<vmem>>, vector<2560x1xi32>
    %eq3A_71 = vector.broadcast %get3A_70 : vector<2560x1xi32> to vector<2560x128xi32>
    %eq3A_72 = vector.broadcast %iota3A : vector<1x128xi32> to vector<2560x128xi32>
    %eq3A_73 = arith.cmpi eq, %eq3A_71, %eq3A_72 : vector<2560x128xi32>
    %convert_element_type3A_74 = arith.extui %eq3A_73 : vector<2560x128xi1> to vector<2560x128xi32>
    %convert_element_type3A_75 = arith.sitofp %convert_element_type3A_74 : vector<2560x128xi32> to vector<2560x128xf32>
    %add3A_76 = arith.addf %convert_element_type3A_67, %convert_element_type3A_75 : vector<2560x128xf32>
    %get3A_77 = arith.constant 0 : index
    %get3A_78 = arith.constant 2 : index
    %get3A_79 = vector.load %arg2[%get3A_77, %get3A_78] : memref<2560x50xi32, #tpu.memory_space<vmem>>, vector<2560x1xi32>
    %eq3A_80 = vector.broadcast %get3A_79 : vector<2560x1xi32> to vector<2560x128xi32>
    %eq3A_81 = vector.broadcast %iota3A : vector<1x128xi32> to vector<2560x128xi32>
    %eq3A_82 = arith.cmpi eq, %eq3A_80, %eq3A_81 : vector<2560x128xi32>
    %convert_element_type3A_83 = arith.extui %eq3A_82 : vector<2560x128xi1> to vector<2560x128xi32>
    %convert_element_type3A_84 = arith.sitofp %convert_element_type3A_83 : vector<2560x128xi32> to vector<2560x128xf32>
    %add3A_85 = arith.addf %add3A_76, %convert_element_type3A_84 : vector<2560x128xf32>
    %get3A_86 = arith.constant 0 : index
    %get3A_87 = arith.constant 3 : index
    %get3A_88 = vector.load %arg2[%get3A_86, %get3A_87] : memref<2560x50xi32, #tpu.memory_space<vmem>>, vector<2560x1xi32>
    %eq3A_89 = vector.broadcast %get3A_88 : vector<2560x1xi32> to vector<2560x128xi32>
    %eq3A_90 = vector.broadcast %iota3A : vector<1x128xi32> to vector<2560x128xi32>
    %eq3A_91 = arith.cmpi eq, %eq3A_89, %eq3A_90 : vector<2560x128xi32>
    %convert_element_type3A_92 = arith.extui %eq3A_91 : vector<2560x128xi1> to vector<2560x128xi32>
    %convert_element_type3A_93 = arith.sitofp %convert_element_type3A_92 : vector<2560x128xi32> to vector<2560x128xf32>
    %add3A_94 = arith.addf %add3A_85, %convert_element_type3A_93 : vector<2560x128xf32>
    %get3A_95 = arith.constant 0 : index
    %get3A_96 = arith.constant 4 : index
    %get3A_97 = vector.load %arg2[%get3A_95, %get3A_96] : memref<2560x50xi32, #tpu.memory_space<vmem>>, vector<2560x1xi32>
    %eq3A_98 = vector.broadcast %get3A_97 : vector<2560x1xi32> to vector<2560x128xi32>
    %eq3A_99 = vector.broadcast %iota3A : vector<1x128xi32> to vector<2560x128xi32>
    %eq3A_100 = arith.cmpi eq, %eq3A_98, %eq3A_99 : vector<2560x128xi32>
    %convert_element_type3A_101 = arith.extui %eq3A_100 : vector<2560x128xi1> to vector<2560x128xi32>
    %convert_element_type3A_102 = arith.sitofp %convert_element_type3A_101 : vector<2560x128xi32> to vector<2560x128xf32>
    %add3A_103 = arith.addf %add3A_94, %convert_element_type3A_102 : vector<2560x128xf32>
    %dot_general3A_104 = arith.constant dense<0.000000e+00> : vector<2560x80xf32>
    %dot_general3A_105 = tpu.matmul %add3A_103, %dot_general3A_5, %dot_general3A_104 {dimension_numbers = #tpu.dot_dimension_numbers<[1], [0], [0], [1], [0, 0, 1, 1], [], []>, transpose_lhs_hint = false} : vector<2560x128xf32>, vector<128x80xf32>, vector<2560x80xf32> -> vector<2560x80xf32>
    %add3A_106 = arith.addf %dot_general3A_105, %add3A_56 : vector<2560x80xf32>
    %max3A = arith.constant 0.000000e+00 : f32
    %max3A_107 = vector.broadcast %max3A : f32 to vector<2560x80xf32>
    %max3A_108 = arith.maximumf %add3A_106, %max3A_107 : vector<2560x80xf32>
    %mul3A = vector.broadcast %get3A_59 : vector<1x80xf32> to vector<2560x80xf32>
    %mul3A_109 = arith.mulf %max3A_108, %mul3A : vector<2560x80xf32>
    %reduce_sum3A = arith.constant dense<0.000000e+00> : vector<2560xf32>
    %reduce_sum3A_110 = vector.multi_reduction <add>, %mul3A_109, %reduce_sum3A [1] : vector<2560x80xf32> to vector<2560xf32>
    %broadcast_in_dim3A = vector.shape_cast %reduce_sum3A_110 : vector<2560xf32> to vector<2560x1xf32>
    %get3A_111 = arith.constant 0 : index
    %get3A_112 = arith.constant 5 : index
    %get3A_113 = vector.load %arg2[%get3A_111, %get3A_112] : memref<2560x50xi32, #tpu.memory_space<vmem>>, vector<2560x1xi32>
    %eq3A_114 = vector.broadcast %get3A_113 : vector<2560x1xi32> to vector<2560x128xi32>
    %eq3A_115 = vector.broadcast %iota3A : vector<1x128xi32> to vector<2560x128xi32>
    %eq3A_116 = arith.cmpi eq, %eq3A_114, %eq3A_115 : vector<2560x128xi32>
    %convert_element_type3A_117 = arith.extui %eq3A_116 : vector<2560x128xi1> to vector<2560x128xi32>
    %convert_element_type3A_118 = arith.sitofp %convert_element_type3A_117 : vector<2560x128xi32> to vector<2560x128xf32>
    %get3A_119 = arith.constant 0 : index
    %get3A_120 = arith.constant 6 : index
    %get3A_121 = vector.load %arg2[%get3A_119, %get3A_120] : memref<2560x50xi32, #tpu.memory_space<vmem>>, vector<2560x1xi32>
    %eq3A_122 = vector.broadcast %get3A_121 : vector<2560x1xi32> to vector<2560x128xi32>
    %eq3A_123 = vector.broadcast %iota3A : vector<1x128xi32> to vector<2560x128xi32>
    %eq3A_124 = arith.cmpi eq, %eq3A_122, %eq3A_123 : vector<2560x128xi32>
    %convert_element_type3A_125 = arith.extui %eq3A_124 : vector<2560x128xi1> to vector<2560x128xi32>
    %convert_element_type3A_126 = arith.sitofp %convert_element_type3A_125 : vector<2560x128xi32> to vector<2560x128xf32>
    %add3A_127 = arith.addf %convert_element_type3A_118, %convert_element_type3A_126 : vector<2560x128xf32>
    %get3A_128 = arith.constant 0 : index
    %get3A_129 = arith.constant 7 : index
    %get3A_130 = vector.load %arg2[%get3A_128, %get3A_129] : memref<2560x50xi32, #tpu.memory_space<vmem>>, vector<2560x1xi32>
    %eq3A_131 = vector.broadcast %get3A_130 : vector<2560x1xi32> to vector<2560x128xi32>
    %eq3A_132 = vector.broadcast %iota3A : vector<1x128xi32> to vector<2560x128xi32>
    %eq3A_133 = arith.cmpi eq, %eq3A_131, %eq3A_132 : vector<2560x128xi32>
    %convert_element_type3A_134 = arith.extui %eq3A_133 : vector<2560x128xi1> to vector<2560x128xi32>
    %convert_element_type3A_135 = arith.sitofp %convert_element_type3A_134 : vector<2560x128xi32> to vector<2560x128xf32>
    %add3A_136 = arith.addf %add3A_127, %convert_element_type3A_135 : vector<2560x128xf32>
    %get3A_137 = arith.constant 0 : index
    %get3A_138 = arith.constant 8 : index
    %get3A_139 = vector.load %arg2[%get3A_137, %get3A_138] : memref<2560x50xi32, #tpu.memory_space<vmem>>, vector<2560x1xi32>
    %eq3A_140 = vector.broadcast %get3A_139 : vector<2560x1xi32> to vector<2560x128xi32>
    %eq3A_141 = vector.broadcast %iota3A : vector<1x128xi32> to vector<2560x128xi32>
    %eq3A_142 = arith.cmpi eq, %eq3A_140, %eq3A_141 : vector<2560x128xi32>
    %convert_element_type3A_143 = arith.extui %eq3A_142 : vector<2560x128xi1> to vector<2560x128xi32>
    %convert_element_type3A_144 = arith.sitofp %convert_element_type3A_143 : vector<2560x128xi32> to vector<2560x128xf32>
    %add3A_145 = arith.addf %add3A_136, %convert_element_type3A_144 : vector<2560x128xf32>
    %get3A_146 = arith.constant 0 : index
    %get3A_147 = arith.constant 9 : index
    %get3A_148 = vector.load %arg2[%get3A_146, %get3A_147] : memref<2560x50xi32, #tpu.memory_space<vmem>>, vector<2560x1xi32>
    %eq3A_149 = vector.broadcast %get3A_148 : vector<2560x1xi32> to vector<2560x128xi32>
    %eq3A_150 = vector.broadcast %iota3A : vector<1x128xi32> to vector<2560x128xi32>
    %eq3A_151 = arith.cmpi eq, %eq3A_149, %eq3A_150 : vector<2560x128xi32>
    %convert_element_type3A_152 = arith.extui %eq3A_151 : vector<2560x128xi1> to vector<2560x128xi32>
    %convert_element_type3A_153 = arith.sitofp %convert_element_type3A_152 : vector<2560x128xi32> to vector<2560x128xf32>
    %add3A_154 = arith.addf %add3A_145, %convert_element_type3A_153 : vector<2560x128xf32>
    %dot_general3A_155 = arith.constant dense<0.000000e+00> : vector<2560x80xf32>
    %dot_general3A_156 = tpu.matmul %add3A_154, %dot_general3A_5, %dot_general3A_155 {dimension_numbers = #tpu.dot_dimension_numbers<[1], [0], [0], [1], [0, 0, 1, 1], [], []>, transpose_lhs_hint = false} : vector<2560x128xf32>, vector<128x80xf32>, vector<2560x80xf32> -> vector<2560x80xf32>
    %add3A_157 = arith.addf %dot_general3A_156, %add3A_56 : vector<2560x80xf32>
    %max3A_158 = arith.constant 0.000000e+00 : f32
    %max3A_159 = vector.broadcast %max3A_158 : f32 to vector<2560x80xf32>
    %max3A_160 = arith.maximumf %add3A_157, %max3A_159 : vector<2560x80xf32>
    %mul3A_161 = vector.broadcast %get3A_59 : vector<1x80xf32> to vector<2560x80xf32>
    %mul3A_162 = arith.mulf %max3A_160, %mul3A_161 : vector<2560x80xf32>
    %reduce_sum3A_163 = arith.constant dense<0.000000e+00> : vector<2560xf32>
    %reduce_sum3A_164 = vector.multi_reduction <add>, %mul3A_162, %reduce_sum3A_163 [1] : vector<2560x80xf32> to vector<2560xf32>
    %broadcast_in_dim3A_165 = vector.shape_cast %reduce_sum3A_164 : vector<2560xf32> to vector<2560x1xf32>
    %get3A_166 = arith.constant 0 : index
    %get3A_167 = arith.constant 10 : index
    %get3A_168 = vector.load %arg2[%get3A_166, %get3A_167] : memref<2560x50xi32, #tpu.memory_space<vmem>>, vector<2560x1xi32>
    %eq3A_169 = vector.broadcast %get3A_168 : vector<2560x1xi32> to vector<2560x128xi32>
    %eq3A_170 = vector.broadcast %iota3A : vector<1x128xi32> to vector<2560x128xi32>
    %eq3A_171 = arith.cmpi eq, %eq3A_169, %eq3A_170 : vector<2560x128xi32>
    %convert_element_type3A_172 = arith.extui %eq3A_171 : vector<2560x128xi1> to vector<2560x128xi32>
    %convert_element_type3A_173 = arith.sitofp %convert_element_type3A_172 : vector<2560x128xi32> to vector<2560x128xf32>
    %get3A_174 = arith.constant 0 : index
    %get3A_175 = arith.constant 11 : index
    %get3A_176 = vector.load %arg2[%get3A_174, %get3A_175] : memref<2560x50xi32, #tpu.memory_space<vmem>>, vector<2560x1xi32>
    %eq3A_177 = vector.broadcast %get3A_176 : vector<2560x1xi32> to vector<2560x128xi32>
    %eq3A_178 = vector.broadcast %iota3A : vector<1x128xi32> to vector<2560x128xi32>
    %eq3A_179 = arith.cmpi eq, %eq3A_177, %eq3A_178 : vector<2560x128xi32>
    %convert_element_type3A_180 = arith.extui %eq3A_179 : vector<2560x128xi1> to vector<2560x128xi32>
    %convert_element_type3A_181 = arith.sitofp %convert_element_type3A_180 : vector<2560x128xi32> to vector<2560x128xf32>
    %add3A_182 = arith.addf %convert_element_type3A_173, %convert_element_type3A_181 : vector<2560x128xf32>
    %get3A_183 = arith.constant 0 : index
    %get3A_184 = arith.constant 12 : index
    %get3A_185 = vector.load %arg2[%get3A_183, %get3A_184] : memref<2560x50xi32, #tpu.memory_space<vmem>>, vector<2560x1xi32>
    %eq3A_186 = vector.broadcast %get3A_185 : vector<2560x1xi32> to vector<2560x128xi32>
    %eq3A_187 = vector.broadcast %iota3A : vector<1x128xi32> to vector<2560x128xi32>
    %eq3A_188 = arith.cmpi eq, %eq3A_186, %eq3A_187 : vector<2560x128xi32>
    %convert_element_type3A_189 = arith.extui %eq3A_188 : vector<2560x128xi1> to vector<2560x128xi32>
    %convert_element_type3A_190 = arith.sitofp %convert_element_type3A_189 : vector<2560x128xi32> to vector<2560x128xf32>
    %add3A_191 = arith.addf %add3A_182, %convert_element_type3A_190 : vector<2560x128xf32>
    %get3A_192 = arith.constant 0 : index
    %get3A_193 = arith.constant 13 : index
    %get3A_194 = vector.load %arg2[%get3A_192, %get3A_193] : memref<2560x50xi32, #tpu.memory_space<vmem>>, vector<2560x1xi32>
    %eq3A_195 = vector.broadcast %get3A_194 : vector<2560x1xi32> to vector<2560x128xi32>
    %eq3A_196 = vector.broadcast %iota3A : vector<1x128xi32> to vector<2560x128xi32>
    %eq3A_197 = arith.cmpi eq, %eq3A_195, %eq3A_196 : vector<2560x128xi32>
    %convert_element_type3A_198 = arith.extui %eq3A_197 : vector<2560x128xi1> to vector<2560x128xi32>
    %convert_element_type3A_199 = arith.sitofp %convert_element_type3A_198 : vector<2560x128xi32> to vector<2560x128xf32>
    %add3A_200 = arith.addf %add3A_191, %convert_element_type3A_199 : vector<2560x128xf32>
    %get3A_201 = arith.constant 0 : index
    %get3A_202 = arith.constant 14 : index
    %get3A_203 = vector.load %arg2[%get3A_201, %get3A_202] : memref<2560x50xi32, #tpu.memory_space<vmem>>, vector<2560x1xi32>
    %eq3A_204 = vector.broadcast %get3A_203 : vector<2560x1xi32> to vector<2560x128xi32>
    %eq3A_205 = vector.broadcast %iota3A : vector<1x128xi32> to vector<2560x128xi32>
    %eq3A_206 = arith.cmpi eq, %eq3A_204, %eq3A_205 : vector<2560x128xi32>
    %convert_element_type3A_207 = arith.extui %eq3A_206 : vector<2560x128xi1> to vector<2560x128xi32>
    %convert_element_type3A_208 = arith.sitofp %convert_element_type3A_207 : vector<2560x128xi32> to vector<2560x128xf32>
    %add3A_209 = arith.addf %add3A_200, %convert_element_type3A_208 : vector<2560x128xf32>
    %dot_general3A_210 = arith.constant dense<0.000000e+00> : vector<2560x80xf32>
    %dot_general3A_211 = tpu.matmul %add3A_209, %dot_general3A_5, %dot_general3A_210 {dimension_numbers = #tpu.dot_dimension_numbers<[1], [0], [0], [1], [0, 0, 1, 1], [], []>, transpose_lhs_hint = false} : vector<2560x128xf32>, vector<128x80xf32>, vector<2560x80xf32> -> vector<2560x80xf32>
    %add3A_212 = arith.addf %dot_general3A_211, %add3A_56 : vector<2560x80xf32>
    %max3A_213 = arith.constant 0.000000e+00 : f32
    %max3A_214 = vector.broadcast %max3A_213 : f32 to vector<2560x80xf32>
    %max3A_215 = arith.maximumf %add3A_212, %max3A_214 : vector<2560x80xf32>
    %mul3A_216 = vector.broadcast %get3A_59 : vector<1x80xf32> to vector<2560x80xf32>
    %mul3A_217 = arith.mulf %max3A_215, %mul3A_216 : vector<2560x80xf32>
    %reduce_sum3A_218 = arith.constant dense<0.000000e+00> : vector<2560xf32>
    %reduce_sum3A_219 = vector.multi_reduction <add>, %mul3A_217, %reduce_sum3A_218 [1] : vector<2560x80xf32> to vector<2560xf32>
    %broadcast_in_dim3A_220 = vector.shape_cast %reduce_sum3A_219 : vector<2560xf32> to vector<2560x1xf32>
    %get3A_221 = arith.constant 0 : index
    %get3A_222 = arith.constant 15 : index
    %get3A_223 = vector.load %arg2[%get3A_221, %get3A_222] : memref<2560x50xi32, #tpu.memory_space<vmem>>, vector<2560x1xi32>
    %eq3A_224 = vector.broadcast %get3A_223 : vector<2560x1xi32> to vector<2560x128xi32>
    %eq3A_225 = vector.broadcast %iota3A : vector<1x128xi32> to vector<2560x128xi32>
    %eq3A_226 = arith.cmpi eq, %eq3A_224, %eq3A_225 : vector<2560x128xi32>
    %convert_element_type3A_227 = arith.extui %eq3A_226 : vector<2560x128xi1> to vector<2560x128xi32>
    %convert_element_type3A_228 = arith.sitofp %convert_element_type3A_227 : vector<2560x128xi32> to vector<2560x128xf32>
    %get3A_229 = arith.constant 0 : index
    %get3A_230 = arith.constant 16 : index
    %get3A_231 = vector.load %arg2[%get3A_229, %get3A_230] : memref<2560x50xi32, #tpu.memory_space<vmem>>, vector<2560x1xi32>
    %eq3A_232 = vector.broadcast %get3A_231 : vector<2560x1xi32> to vector<2560x128xi32>
    %eq3A_233 = vector.broadcast %iota3A : vector<1x128xi32> to vector<2560x128xi32>
    %eq3A_234 = arith.cmpi eq, %eq3A_232, %eq3A_233 : vector<2560x128xi32>
    %convert_element_type3A_235 = arith.extui %eq3A_234 : vector<2560x128xi1> to vector<2560x128xi32>
    %convert_element_type3A_236 = arith.sitofp %convert_element_type3A_235 : vector<2560x128xi32> to vector<2560x128xf32>
    %add3A_237 = arith.addf %convert_element_type3A_228, %convert_element_type3A_236 : vector<2560x128xf32>
    %get3A_238 = arith.constant 0 : index
    %get3A_239 = arith.constant 17 : index
    %get3A_240 = vector.load %arg2[%get3A_238, %get3A_239] : memref<2560x50xi32, #tpu.memory_space<vmem>>, vector<2560x1xi32>
    %eq3A_241 = vector.broadcast %get3A_240 : vector<2560x1xi32> to vector<2560x128xi32>
    %eq3A_242 = vector.broadcast %iota3A : vector<1x128xi32> to vector<2560x128xi32>
    %eq3A_243 = arith.cmpi eq, %eq3A_241, %eq3A_242 : vector<2560x128xi32>
    %convert_element_type3A_244 = arith.extui %eq3A_243 : vector<2560x128xi1> to vector<2560x128xi32>
    %convert_element_type3A_245 = arith.sitofp %convert_element_type3A_244 : vector<2560x128xi32> to vector<2560x128xf32>
    %add3A_246 = arith.addf %add3A_237, %convert_element_type3A_245 : vector<2560x128xf32>
    %get3A_247 = arith.constant 0 : index
    %get3A_248 = arith.constant 18 : index
    %get3A_249 = vector.load %arg2[%get3A_247, %get3A_248] : memref<2560x50xi32, #tpu.memory_space<vmem>>, vector<2560x1xi32>
    %eq3A_250 = vector.broadcast %get3A_249 : vector<2560x1xi32> to vector<2560x128xi32>
    %eq3A_251 = vector.broadcast %iota3A : vector<1x128xi32> to vector<2560x128xi32>
    %eq3A_252 = arith.cmpi eq, %eq3A_250, %eq3A_251 : vector<2560x128xi32>
    %convert_element_type3A_253 = arith.extui %eq3A_252 : vector<2560x128xi1> to vector<2560x128xi32>
    %convert_element_type3A_254 = arith.sitofp %convert_element_type3A_253 : vector<2560x128xi32> to vector<2560x128xf32>
    %add3A_255 = arith.addf %add3A_246, %convert_element_type3A_254 : vector<2560x128xf32>
    %get3A_256 = arith.constant 0 : index
    %get3A_257 = arith.constant 19 : index
    %get3A_258 = vector.load %arg2[%get3A_256, %get3A_257] : memref<2560x50xi32, #tpu.memory_space<vmem>>, vector<2560x1xi32>
    %eq3A_259 = vector.broadcast %get3A_258 : vector<2560x1xi32> to vector<2560x128xi32>
    %eq3A_260 = vector.broadcast %iota3A : vector<1x128xi32> to vector<2560x128xi32>
    %eq3A_261 = arith.cmpi eq, %eq3A_259, %eq3A_260 : vector<2560x128xi32>
    %convert_element_type3A_262 = arith.extui %eq3A_261 : vector<2560x128xi1> to vector<2560x128xi32>
    %convert_element_type3A_263 = arith.sitofp %convert_element_type3A_262 : vector<2560x128xi32> to vector<2560x128xf32>
    %add3A_264 = arith.addf %add3A_255, %convert_element_type3A_263 : vector<2560x128xf32>
    %dot_general3A_265 = arith.constant dense<0.000000e+00> : vector<2560x80xf32>
    %dot_general3A_266 = tpu.matmul %add3A_264, %dot_general3A_5, %dot_general3A_265 {dimension_numbers = #tpu.dot_dimension_numbers<[1], [0], [0], [1], [0, 0, 1, 1], [], []>, transpose_lhs_hint = false} : vector<2560x128xf32>, vector<128x80xf32>, vector<2560x80xf32> -> vector<2560x80xf32>
    %add3A_267 = arith.addf %dot_general3A_266, %add3A_56 : vector<2560x80xf32>
    %max3A_268 = arith.constant 0.000000e+00 : f32
    %max3A_269 = vector.broadcast %max3A_268 : f32 to vector<2560x80xf32>
    %max3A_270 = arith.maximumf %add3A_267, %max3A_269 : vector<2560x80xf32>
    %mul3A_271 = vector.broadcast %get3A_59 : vector<1x80xf32> to vector<2560x80xf32>
    %mul3A_272 = arith.mulf %max3A_270, %mul3A_271 : vector<2560x80xf32>
    %reduce_sum3A_273 = arith.constant dense<0.000000e+00> : vector<2560xf32>
    %reduce_sum3A_274 = vector.multi_reduction <add>, %mul3A_272, %reduce_sum3A_273 [1] : vector<2560x80xf32> to vector<2560xf32>
    %broadcast_in_dim3A_275 = vector.shape_cast %reduce_sum3A_274 : vector<2560xf32> to vector<2560x1xf32>
    %get3A_276 = arith.constant 0 : index
    %get3A_277 = arith.constant 20 : index
    %get3A_278 = vector.load %arg2[%get3A_276, %get3A_277] : memref<2560x50xi32, #tpu.memory_space<vmem>>, vector<2560x1xi32>
    %eq3A_279 = vector.broadcast %get3A_278 : vector<2560x1xi32> to vector<2560x128xi32>
    %eq3A_280 = vector.broadcast %iota3A : vector<1x128xi32> to vector<2560x128xi32>
    %eq3A_281 = arith.cmpi eq, %eq3A_279, %eq3A_280 : vector<2560x128xi32>
    %convert_element_type3A_282 = arith.extui %eq3A_281 : vector<2560x128xi1> to vector<2560x128xi32>
    %convert_element_type3A_283 = arith.sitofp %convert_element_type3A_282 : vector<2560x128xi32> to vector<2560x128xf32>
    %get3A_284 = arith.constant 0 : index
    %get3A_285 = arith.constant 21 : index
    %get3A_286 = vector.load %arg2[%get3A_284, %get3A_285] : memref<2560x50xi32, #tpu.memory_space<vmem>>, vector<2560x1xi32>
    %eq3A_287 = vector.broadcast %get3A_286 : vector<2560x1xi32> to vector<2560x128xi32>
    %eq3A_288 = vector.broadcast %iota3A : vector<1x128xi32> to vector<2560x128xi32>
    %eq3A_289 = arith.cmpi eq, %eq3A_287, %eq3A_288 : vector<2560x128xi32>
    %convert_element_type3A_290 = arith.extui %eq3A_289 : vector<2560x128xi1> to vector<2560x128xi32>
    %convert_element_type3A_291 = arith.sitofp %convert_element_type3A_290 : vector<2560x128xi32> to vector<2560x128xf32>
    %add3A_292 = arith.addf %convert_element_type3A_283, %convert_element_type3A_291 : vector<2560x128xf32>
    %get3A_293 = arith.constant 0 : index
    %get3A_294 = arith.constant 22 : index
    %get3A_295 = vector.load %arg2[%get3A_293, %get3A_294] : memref<2560x50xi32, #tpu.memory_space<vmem>>, vector<2560x1xi32>
    %eq3A_296 = vector.broadcast %get3A_295 : vector<2560x1xi32> to vector<2560x128xi32>
    %eq3A_297 = vector.broadcast %iota3A : vector<1x128xi32> to vector<2560x128xi32>
    %eq3A_298 = arith.cmpi eq, %eq3A_296, %eq3A_297 : vector<2560x128xi32>
    %convert_element_type3A_299 = arith.extui %eq3A_298 : vector<2560x128xi1> to vector<2560x128xi32>
    %convert_element_type3A_300 = arith.sitofp %convert_element_type3A_299 : vector<2560x128xi32> to vector<2560x128xf32>
    %add3A_301 = arith.addf %add3A_292, %convert_element_type3A_300 : vector<2560x128xf32>
    %get3A_302 = arith.constant 0 : index
    %get3A_303 = arith.constant 23 : index
    %get3A_304 = vector.load %arg2[%get3A_302, %get3A_303] : memref<2560x50xi32, #tpu.memory_space<vmem>>, vector<2560x1xi32>
    %eq3A_305 = vector.broadcast %get3A_304 : vector<2560x1xi32> to vector<2560x128xi32>
    %eq3A_306 = vector.broadcast %iota3A : vector<1x128xi32> to vector<2560x128xi32>
    %eq3A_307 = arith.cmpi eq, %eq3A_305, %eq3A_306 : vector<2560x128xi32>
    %convert_element_type3A_308 = arith.extui %eq3A_307 : vector<2560x128xi1> to vector<2560x128xi32>
    %convert_element_type3A_309 = arith.sitofp %convert_element_type3A_308 : vector<2560x128xi32> to vector<2560x128xf32>
    %add3A_310 = arith.addf %add3A_301, %convert_element_type3A_309 : vector<2560x128xf32>
    %get3A_311 = arith.constant 0 : index
    %get3A_312 = arith.constant 24 : index
    %get3A_313 = vector.load %arg2[%get3A_311, %get3A_312] : memref<2560x50xi32, #tpu.memory_space<vmem>>, vector<2560x1xi32>
    %eq3A_314 = vector.broadcast %get3A_313 : vector<2560x1xi32> to vector<2560x128xi32>
    %eq3A_315 = vector.broadcast %iota3A : vector<1x128xi32> to vector<2560x128xi32>
    %eq3A_316 = arith.cmpi eq, %eq3A_314, %eq3A_315 : vector<2560x128xi32>
    %convert_element_type3A_317 = arith.extui %eq3A_316 : vector<2560x128xi1> to vector<2560x128xi32>
    %convert_element_type3A_318 = arith.sitofp %convert_element_type3A_317 : vector<2560x128xi32> to vector<2560x128xf32>
    %add3A_319 = arith.addf %add3A_310, %convert_element_type3A_318 : vector<2560x128xf32>
    %dot_general3A_320 = arith.constant dense<0.000000e+00> : vector<2560x80xf32>
    %dot_general3A_321 = tpu.matmul %add3A_319, %dot_general3A_5, %dot_general3A_320 {dimension_numbers = #tpu.dot_dimension_numbers<[1], [0], [0], [1], [0, 0, 1, 1], [], []>, transpose_lhs_hint = false} : vector<2560x128xf32>, vector<128x80xf32>, vector<2560x80xf32> -> vector<2560x80xf32>
    %add3A_322 = arith.addf %dot_general3A_321, %add3A_56 : vector<2560x80xf32>
    %max3A_323 = arith.constant 0.000000e+00 : f32
    %max3A_324 = vector.broadcast %max3A_323 : f32 to vector<2560x80xf32>
    %max3A_325 = arith.maximumf %add3A_322, %max3A_324 : vector<2560x80xf32>
    %mul3A_326 = vector.broadcast %get3A_59 : vector<1x80xf32> to vector<2560x80xf32>
    %mul3A_327 = arith.mulf %max3A_325, %mul3A_326 : vector<2560x80xf32>
    %reduce_sum3A_328 = arith.constant dense<0.000000e+00> : vector<2560xf32>
    %reduce_sum3A_329 = vector.multi_reduction <add>, %mul3A_327, %reduce_sum3A_328 [1] : vector<2560x80xf32> to vector<2560xf32>
    %broadcast_in_dim3A_330 = vector.shape_cast %reduce_sum3A_329 : vector<2560xf32> to vector<2560x1xf32>
    %get3A_331 = arith.constant 0 : index
    %get3A_332 = arith.constant 25 : index
    %get3A_333 = vector.load %arg2[%get3A_331, %get3A_332] : memref<2560x50xi32, #tpu.memory_space<vmem>>, vector<2560x1xi32>
    %eq3A_334 = vector.broadcast %get3A_333 : vector<2560x1xi32> to vector<2560x128xi32>
    %eq3A_335 = vector.broadcast %iota3A : vector<1x128xi32> to vector<2560x128xi32>
    %eq3A_336 = arith.cmpi eq, %eq3A_334, %eq3A_335 : vector<2560x128xi32>
    %convert_element_type3A_337 = arith.extui %eq3A_336 : vector<2560x128xi1> to vector<2560x128xi32>
    %convert_element_type3A_338 = arith.sitofp %convert_element_type3A_337 : vector<2560x128xi32> to vector<2560x128xf32>
    %get3A_339 = arith.constant 0 : index
    %get3A_340 = arith.constant 26 : index
    %get3A_341 = vector.load %arg2[%get3A_339, %get3A_340] : memref<2560x50xi32, #tpu.memory_space<vmem>>, vector<2560x1xi32>
    %eq3A_342 = vector.broadcast %get3A_341 : vector<2560x1xi32> to vector<2560x128xi32>
    %eq3A_343 = vector.broadcast %iota3A : vector<1x128xi32> to vector<2560x128xi32>
    %eq3A_344 = arith.cmpi eq, %eq3A_342, %eq3A_343 : vector<2560x128xi32>
    %convert_element_type3A_345 = arith.extui %eq3A_344 : vector<2560x128xi1> to vector<2560x128xi32>
    %convert_element_type3A_346 = arith.sitofp %convert_element_type3A_345 : vector<2560x128xi32> to vector<2560x128xf32>
    %add3A_347 = arith.addf %convert_element_type3A_338, %convert_element_type3A_346 : vector<2560x128xf32>
    %get3A_348 = arith.constant 0 : index
    %get3A_349 = arith.constant 27 : index
    %get3A_350 = vector.load %arg2[%get3A_348, %get3A_349] : memref<2560x50xi32, #tpu.memory_space<vmem>>, vector<2560x1xi32>
    %eq3A_351 = vector.broadcast %get3A_350 : vector<2560x1xi32> to vector<2560x128xi32>
    %eq3A_352 = vector.broadcast %iota3A : vector<1x128xi32> to vector<2560x128xi32>
    %eq3A_353 = arith.cmpi eq, %eq3A_351, %eq3A_352 : vector<2560x128xi32>
    %convert_element_type3A_354 = arith.extui %eq3A_353 : vector<2560x128xi1> to vector<2560x128xi32>
    %convert_element_type3A_355 = arith.sitofp %convert_element_type3A_354 : vector<2560x128xi32> to vector<2560x128xf32>
    %add3A_356 = arith.addf %add3A_347, %convert_element_type3A_355 : vector<2560x128xf32>
    %get3A_357 = arith.constant 0 : index
    %get3A_358 = arith.constant 28 : index
    %get3A_359 = vector.load %arg2[%get3A_357, %get3A_358] : memref<2560x50xi32, #tpu.memory_space<vmem>>, vector<2560x1xi32>
    %eq3A_360 = vector.broadcast %get3A_359 : vector<2560x1xi32> to vector<2560x128xi32>
    %eq3A_361 = vector.broadcast %iota3A : vector<1x128xi32> to vector<2560x128xi32>
    %eq3A_362 = arith.cmpi eq, %eq3A_360, %eq3A_361 : vector<2560x128xi32>
    %convert_element_type3A_363 = arith.extui %eq3A_362 : vector<2560x128xi1> to vector<2560x128xi32>
    %convert_element_type3A_364 = arith.sitofp %convert_element_type3A_363 : vector<2560x128xi32> to vector<2560x128xf32>
    %add3A_365 = arith.addf %add3A_356, %convert_element_type3A_364 : vector<2560x128xf32>
    %get3A_366 = arith.constant 0 : index
    %get3A_367 = arith.constant 29 : index
    %get3A_368 = vector.load %arg2[%get3A_366, %get3A_367] : memref<2560x50xi32, #tpu.memory_space<vmem>>, vector<2560x1xi32>
    %eq3A_369 = vector.broadcast %get3A_368 : vector<2560x1xi32> to vector<2560x128xi32>
    %eq3A_370 = vector.broadcast %iota3A : vector<1x128xi32> to vector<2560x128xi32>
    %eq3A_371 = arith.cmpi eq, %eq3A_369, %eq3A_370 : vector<2560x128xi32>
    %convert_element_type3A_372 = arith.extui %eq3A_371 : vector<2560x128xi1> to vector<2560x128xi32>
    %convert_element_type3A_373 = arith.sitofp %convert_element_type3A_372 : vector<2560x128xi32> to vector<2560x128xf32>
    %add3A_374 = arith.addf %add3A_365, %convert_element_type3A_373 : vector<2560x128xf32>
    %dot_general3A_375 = arith.constant dense<0.000000e+00> : vector<2560x80xf32>
    %dot_general3A_376 = tpu.matmul %add3A_374, %dot_general3A_5, %dot_general3A_375 {dimension_numbers = #tpu.dot_dimension_numbers<[1], [0], [0], [1], [0, 0, 1, 1], [], []>, transpose_lhs_hint = false} : vector<2560x128xf32>, vector<128x80xf32>, vector<2560x80xf32> -> vector<2560x80xf32>
    %add3A_377 = arith.addf %dot_general3A_376, %add3A_56 : vector<2560x80xf32>
    %max3A_378 = arith.constant 0.000000e+00 : f32
    %max3A_379 = vector.broadcast %max3A_378 : f32 to vector<2560x80xf32>
    %max3A_380 = arith.maximumf %add3A_377, %max3A_379 : vector<2560x80xf32>
    %mul3A_381 = vector.broadcast %get3A_59 : vector<1x80xf32> to vector<2560x80xf32>
    %mul3A_382 = arith.mulf %max3A_380, %mul3A_381 : vector<2560x80xf32>
    %reduce_sum3A_383 = arith.constant dense<0.000000e+00> : vector<2560xf32>
    %reduce_sum3A_384 = vector.multi_reduction <add>, %mul3A_382, %reduce_sum3A_383 [1] : vector<2560x80xf32> to vector<2560xf32>
    %broadcast_in_dim3A_385 = vector.shape_cast %reduce_sum3A_384 : vector<2560xf32> to vector<2560x1xf32>
    %get3A_386 = arith.constant 0 : index
    %get3A_387 = arith.constant 30 : index
    %get3A_388 = vector.load %arg2[%get3A_386, %get3A_387] : memref<2560x50xi32, #tpu.memory_space<vmem>>, vector<2560x1xi32>
    %eq3A_389 = vector.broadcast %get3A_388 : vector<2560x1xi32> to vector<2560x128xi32>
    %eq3A_390 = vector.broadcast %iota3A : vector<1x128xi32> to vector<2560x128xi32>
    %eq3A_391 = arith.cmpi eq, %eq3A_389, %eq3A_390 : vector<2560x128xi32>
    %convert_element_type3A_392 = arith.extui %eq3A_391 : vector<2560x128xi1> to vector<2560x128xi32>
    %convert_element_type3A_393 = arith.sitofp %convert_element_type3A_392 : vector<2560x128xi32> to vector<2560x128xf32>
    %get3A_394 = arith.constant 0 : index
    %get3A_395 = arith.constant 31 : index
    %get3A_396 = vector.load %arg2[%get3A_394, %get3A_395] : memref<2560x50xi32, #tpu.memory_space<vmem>>, vector<2560x1xi32>
    %eq3A_397 = vector.broadcast %get3A_396 : vector<2560x1xi32> to vector<2560x128xi32>
    %eq3A_398 = vector.broadcast %iota3A : vector<1x128xi32> to vector<2560x128xi32>
    %eq3A_399 = arith.cmpi eq, %eq3A_397, %eq3A_398 : vector<2560x128xi32>
    %convert_element_type3A_400 = arith.extui %eq3A_399 : vector<2560x128xi1> to vector<2560x128xi32>
    %convert_element_type3A_401 = arith.sitofp %convert_element_type3A_400 : vector<2560x128xi32> to vector<2560x128xf32>
    %add3A_402 = arith.addf %convert_element_type3A_393, %convert_element_type3A_401 : vector<2560x128xf32>
    %get3A_403 = arith.constant 0 : index
    %get3A_404 = arith.constant 32 : index
    %get3A_405 = vector.load %arg2[%get3A_403, %get3A_404] : memref<2560x50xi32, #tpu.memory_space<vmem>>, vector<2560x1xi32>
    %eq3A_406 = vector.broadcast %get3A_405 : vector<2560x1xi32> to vector<2560x128xi32>
    %eq3A_407 = vector.broadcast %iota3A : vector<1x128xi32> to vector<2560x128xi32>
    %eq3A_408 = arith.cmpi eq, %eq3A_406, %eq3A_407 : vector<2560x128xi32>
    %convert_element_type3A_409 = arith.extui %eq3A_408 : vector<2560x128xi1> to vector<2560x128xi32>
    %convert_element_type3A_410 = arith.sitofp %convert_element_type3A_409 : vector<2560x128xi32> to vector<2560x128xf32>
    %add3A_411 = arith.addf %add3A_402, %convert_element_type3A_410 : vector<2560x128xf32>
    %get3A_412 = arith.constant 0 : index
    %get3A_413 = arith.constant 33 : index
    %get3A_414 = vector.load %arg2[%get3A_412, %get3A_413] : memref<2560x50xi32, #tpu.memory_space<vmem>>, vector<2560x1xi32>
    %eq3A_415 = vector.broadcast %get3A_414 : vector<2560x1xi32> to vector<2560x128xi32>
    %eq3A_416 = vector.broadcast %iota3A : vector<1x128xi32> to vector<2560x128xi32>
    %eq3A_417 = arith.cmpi eq, %eq3A_415, %eq3A_416 : vector<2560x128xi32>
    %convert_element_type3A_418 = arith.extui %eq3A_417 : vector<2560x128xi1> to vector<2560x128xi32>
    %convert_element_type3A_419 = arith.sitofp %convert_element_type3A_418 : vector<2560x128xi32> to vector<2560x128xf32>
    %add3A_420 = arith.addf %add3A_411, %convert_element_type3A_419 : vector<2560x128xf32>
    %get3A_421 = arith.constant 0 : index
    %get3A_422 = arith.constant 34 : index
    %get3A_423 = vector.load %arg2[%get3A_421, %get3A_422] : memref<2560x50xi32, #tpu.memory_space<vmem>>, vector<2560x1xi32>
    %eq3A_424 = vector.broadcast %get3A_423 : vector<2560x1xi32> to vector<2560x128xi32>
    %eq3A_425 = vector.broadcast %iota3A : vector<1x128xi32> to vector<2560x128xi32>
    %eq3A_426 = arith.cmpi eq, %eq3A_424, %eq3A_425 : vector<2560x128xi32>
    %convert_element_type3A_427 = arith.extui %eq3A_426 : vector<2560x128xi1> to vector<2560x128xi32>
    %convert_element_type3A_428 = arith.sitofp %convert_element_type3A_427 : vector<2560x128xi32> to vector<2560x128xf32>
    %add3A_429 = arith.addf %add3A_420, %convert_element_type3A_428 : vector<2560x128xf32>
    %dot_general3A_430 = arith.constant dense<0.000000e+00> : vector<2560x80xf32>
    %dot_general3A_431 = tpu.matmul %add3A_429, %dot_general3A_5, %dot_general3A_430 {dimension_numbers = #tpu.dot_dimension_numbers<[1], [0], [0], [1], [0, 0, 1, 1], [], []>, transpose_lhs_hint = false} : vector<2560x128xf32>, vector<128x80xf32>, vector<2560x80xf32> -> vector<2560x80xf32>
    %add3A_432 = arith.addf %dot_general3A_431, %add3A_56 : vector<2560x80xf32>
    %max3A_433 = arith.constant 0.000000e+00 : f32
    %max3A_434 = vector.broadcast %max3A_433 : f32 to vector<2560x80xf32>
    %max3A_435 = arith.maximumf %add3A_432, %max3A_434 : vector<2560x80xf32>
    %mul3A_436 = vector.broadcast %get3A_59 : vector<1x80xf32> to vector<2560x80xf32>
    %mul3A_437 = arith.mulf %max3A_435, %mul3A_436 : vector<2560x80xf32>
    %reduce_sum3A_438 = arith.constant dense<0.000000e+00> : vector<2560xf32>
    %reduce_sum3A_439 = vector.multi_reduction <add>, %mul3A_437, %reduce_sum3A_438 [1] : vector<2560x80xf32> to vector<2560xf32>
    %broadcast_in_dim3A_440 = vector.shape_cast %reduce_sum3A_439 : vector<2560xf32> to vector<2560x1xf32>
    %get3A_441 = arith.constant 0 : index
    %get3A_442 = arith.constant 35 : index
    %get3A_443 = vector.load %arg2[%get3A_441, %get3A_442] : memref<2560x50xi32, #tpu.memory_space<vmem>>, vector<2560x1xi32>
    %eq3A_444 = vector.broadcast %get3A_443 : vector<2560x1xi32> to vector<2560x128xi32>
    %eq3A_445 = vector.broadcast %iota3A : vector<1x128xi32> to vector<2560x128xi32>
    %eq3A_446 = arith.cmpi eq, %eq3A_444, %eq3A_445 : vector<2560x128xi32>
    %convert_element_type3A_447 = arith.extui %eq3A_446 : vector<2560x128xi1> to vector<2560x128xi32>
    %convert_element_type3A_448 = arith.sitofp %convert_element_type3A_447 : vector<2560x128xi32> to vector<2560x128xf32>
    %get3A_449 = arith.constant 0 : index
    %get3A_450 = arith.constant 36 : index
    %get3A_451 = vector.load %arg2[%get3A_449, %get3A_450] : memref<2560x50xi32, #tpu.memory_space<vmem>>, vector<2560x1xi32>
    %eq3A_452 = vector.broadcast %get3A_451 : vector<2560x1xi32> to vector<2560x128xi32>
    %eq3A_453 = vector.broadcast %iota3A : vector<1x128xi32> to vector<2560x128xi32>
    %eq3A_454 = arith.cmpi eq, %eq3A_452, %eq3A_453 : vector<2560x128xi32>
    %convert_element_type3A_455 = arith.extui %eq3A_454 : vector<2560x128xi1> to vector<2560x128xi32>
    %convert_element_type3A_456 = arith.sitofp %convert_element_type3A_455 : vector<2560x128xi32> to vector<2560x128xf32>
    %add3A_457 = arith.addf %convert_element_type3A_448, %convert_element_type3A_456 : vector<2560x128xf32>
    %get3A_458 = arith.constant 0 : index
    %get3A_459 = arith.constant 37 : index
    %get3A_460 = vector.load %arg2[%get3A_458, %get3A_459] : memref<2560x50xi32, #tpu.memory_space<vmem>>, vector<2560x1xi32>
    %eq3A_461 = vector.broadcast %get3A_460 : vector<2560x1xi32> to vector<2560x128xi32>
    %eq3A_462 = vector.broadcast %iota3A : vector<1x128xi32> to vector<2560x128xi32>
    %eq3A_463 = arith.cmpi eq, %eq3A_461, %eq3A_462 : vector<2560x128xi32>
    %convert_element_type3A_464 = arith.extui %eq3A_463 : vector<2560x128xi1> to vector<2560x128xi32>
    %convert_element_type3A_465 = arith.sitofp %convert_element_type3A_464 : vector<2560x128xi32> to vector<2560x128xf32>
    %add3A_466 = arith.addf %add3A_457, %convert_element_type3A_465 : vector<2560x128xf32>
    %get3A_467 = arith.constant 0 : index
    %get3A_468 = arith.constant 38 : index
    %get3A_469 = vector.load %arg2[%get3A_467, %get3A_468] : memref<2560x50xi32, #tpu.memory_space<vmem>>, vector<2560x1xi32>
    %eq3A_470 = vector.broadcast %get3A_469 : vector<2560x1xi32> to vector<2560x128xi32>
    %eq3A_471 = vector.broadcast %iota3A : vector<1x128xi32> to vector<2560x128xi32>
    %eq3A_472 = arith.cmpi eq, %eq3A_470, %eq3A_471 : vector<2560x128xi32>
    %convert_element_type3A_473 = arith.extui %eq3A_472 : vector<2560x128xi1> to vector<2560x128xi32>
    %convert_element_type3A_474 = arith.sitofp %convert_element_type3A_473 : vector<2560x128xi32> to vector<2560x128xf32>
    %add3A_475 = arith.addf %add3A_466, %convert_element_type3A_474 : vector<2560x128xf32>
    %get3A_476 = arith.constant 0 : index
    %get3A_477 = arith.constant 39 : index
    %get3A_478 = vector.load %arg2[%get3A_476, %get3A_477] : memref<2560x50xi32, #tpu.memory_space<vmem>>, vector<2560x1xi32>
    %eq3A_479 = vector.broadcast %get3A_478 : vector<2560x1xi32> to vector<2560x128xi32>
    %eq3A_480 = vector.broadcast %iota3A : vector<1x128xi32> to vector<2560x128xi32>
    %eq3A_481 = arith.cmpi eq, %eq3A_479, %eq3A_480 : vector<2560x128xi32>
    %convert_element_type3A_482 = arith.extui %eq3A_481 : vector<2560x128xi1> to vector<2560x128xi32>
    %convert_element_type3A_483 = arith.sitofp %convert_element_type3A_482 : vector<2560x128xi32> to vector<2560x128xf32>
    %add3A_484 = arith.addf %add3A_475, %convert_element_type3A_483 : vector<2560x128xf32>
    %dot_general3A_485 = arith.constant dense<0.000000e+00> : vector<2560x80xf32>
    %dot_general3A_486 = tpu.matmul %add3A_484, %dot_general3A_5, %dot_general3A_485 {dimension_numbers = #tpu.dot_dimension_numbers<[1], [0], [0], [1], [0, 0, 1, 1], [], []>, transpose_lhs_hint = false} : vector<2560x128xf32>, vector<128x80xf32>, vector<2560x80xf32> -> vector<2560x80xf32>
    %add3A_487 = arith.addf %dot_general3A_486, %add3A_56 : vector<2560x80xf32>
    %max3A_488 = arith.constant 0.000000e+00 : f32
    %max3A_489 = vector.broadcast %max3A_488 : f32 to vector<2560x80xf32>
    %max3A_490 = arith.maximumf %add3A_487, %max3A_489 : vector<2560x80xf32>
    %mul3A_491 = vector.broadcast %get3A_59 : vector<1x80xf32> to vector<2560x80xf32>
    %mul3A_492 = arith.mulf %max3A_490, %mul3A_491 : vector<2560x80xf32>
    %reduce_sum3A_493 = arith.constant dense<0.000000e+00> : vector<2560xf32>
    %reduce_sum3A_494 = vector.multi_reduction <add>, %mul3A_492, %reduce_sum3A_493 [1] : vector<2560x80xf32> to vector<2560xf32>
    %broadcast_in_dim3A_495 = vector.shape_cast %reduce_sum3A_494 : vector<2560xf32> to vector<2560x1xf32>
    %get3A_496 = arith.constant 0 : index
    %get3A_497 = arith.constant 40 : index
    %get3A_498 = vector.load %arg2[%get3A_496, %get3A_497] : memref<2560x50xi32, #tpu.memory_space<vmem>>, vector<2560x1xi32>
    %eq3A_499 = vector.broadcast %get3A_498 : vector<2560x1xi32> to vector<2560x128xi32>
    %eq3A_500 = vector.broadcast %iota3A : vector<1x128xi32> to vector<2560x128xi32>
    %eq3A_501 = arith.cmpi eq, %eq3A_499, %eq3A_500 : vector<2560x128xi32>
    %convert_element_type3A_502 = arith.extui %eq3A_501 : vector<2560x128xi1> to vector<2560x128xi32>
    %convert_element_type3A_503 = arith.sitofp %convert_element_type3A_502 : vector<2560x128xi32> to vector<2560x128xf32>
    %get3A_504 = arith.constant 0 : index
    %get3A_505 = arith.constant 41 : index
    %get3A_506 = vector.load %arg2[%get3A_504, %get3A_505] : memref<2560x50xi32, #tpu.memory_space<vmem>>, vector<2560x1xi32>
    %eq3A_507 = vector.broadcast %get3A_506 : vector<2560x1xi32> to vector<2560x128xi32>
    %eq3A_508 = vector.broadcast %iota3A : vector<1x128xi32> to vector<2560x128xi32>
    %eq3A_509 = arith.cmpi eq, %eq3A_507, %eq3A_508 : vector<2560x128xi32>
    %convert_element_type3A_510 = arith.extui %eq3A_509 : vector<2560x128xi1> to vector<2560x128xi32>
    %convert_element_type3A_511 = arith.sitofp %convert_element_type3A_510 : vector<2560x128xi32> to vector<2560x128xf32>
    %add3A_512 = arith.addf %convert_element_type3A_503, %convert_element_type3A_511 : vector<2560x128xf32>
    %get3A_513 = arith.constant 0 : index
    %get3A_514 = arith.constant 42 : index
    %get3A_515 = vector.load %arg2[%get3A_513, %get3A_514] : memref<2560x50xi32, #tpu.memory_space<vmem>>, vector<2560x1xi32>
    %eq3A_516 = vector.broadcast %get3A_515 : vector<2560x1xi32> to vector<2560x128xi32>
    %eq3A_517 = vector.broadcast %iota3A : vector<1x128xi32> to vector<2560x128xi32>
    %eq3A_518 = arith.cmpi eq, %eq3A_516, %eq3A_517 : vector<2560x128xi32>
    %convert_element_type3A_519 = arith.extui %eq3A_518 : vector<2560x128xi1> to vector<2560x128xi32>
    %convert_element_type3A_520 = arith.sitofp %convert_element_type3A_519 : vector<2560x128xi32> to vector<2560x128xf32>
    %add3A_521 = arith.addf %add3A_512, %convert_element_type3A_520 : vector<2560x128xf32>
    %get3A_522 = arith.constant 0 : index
    %get3A_523 = arith.constant 43 : index
    %get3A_524 = vector.load %arg2[%get3A_522, %get3A_523] : memref<2560x50xi32, #tpu.memory_space<vmem>>, vector<2560x1xi32>
    %eq3A_525 = vector.broadcast %get3A_524 : vector<2560x1xi32> to vector<2560x128xi32>
    %eq3A_526 = vector.broadcast %iota3A : vector<1x128xi32> to vector<2560x128xi32>
    %eq3A_527 = arith.cmpi eq, %eq3A_525, %eq3A_526 : vector<2560x128xi32>
    %convert_element_type3A_528 = arith.extui %eq3A_527 : vector<2560x128xi1> to vector<2560x128xi32>
    %convert_element_type3A_529 = arith.sitofp %convert_element_type3A_528 : vector<2560x128xi32> to vector<2560x128xf32>
    %add3A_530 = arith.addf %add3A_521, %convert_element_type3A_529 : vector<2560x128xf32>
    %get3A_531 = arith.constant 0 : index
    %get3A_532 = arith.constant 44 : index
    %get3A_533 = vector.load %arg2[%get3A_531, %get3A_532] : memref<2560x50xi32, #tpu.memory_space<vmem>>, vector<2560x1xi32>
    %eq3A_534 = vector.broadcast %get3A_533 : vector<2560x1xi32> to vector<2560x128xi32>
    %eq3A_535 = vector.broadcast %iota3A : vector<1x128xi32> to vector<2560x128xi32>
    %eq3A_536 = arith.cmpi eq, %eq3A_534, %eq3A_535 : vector<2560x128xi32>
    %convert_element_type3A_537 = arith.extui %eq3A_536 : vector<2560x128xi1> to vector<2560x128xi32>
    %convert_element_type3A_538 = arith.sitofp %convert_element_type3A_537 : vector<2560x128xi32> to vector<2560x128xf32>
    %add3A_539 = arith.addf %add3A_530, %convert_element_type3A_538 : vector<2560x128xf32>
    %dot_general3A_540 = arith.constant dense<0.000000e+00> : vector<2560x80xf32>
    %dot_general3A_541 = tpu.matmul %add3A_539, %dot_general3A_5, %dot_general3A_540 {dimension_numbers = #tpu.dot_dimension_numbers<[1], [0], [0], [1], [0, 0, 1, 1], [], []>, transpose_lhs_hint = false} : vector<2560x128xf32>, vector<128x80xf32>, vector<2560x80xf32> -> vector<2560x80xf32>
    %add3A_542 = arith.addf %dot_general3A_541, %add3A_56 : vector<2560x80xf32>
    %max3A_543 = arith.constant 0.000000e+00 : f32
    %max3A_544 = vector.broadcast %max3A_543 : f32 to vector<2560x80xf32>
    %max3A_545 = arith.maximumf %add3A_542, %max3A_544 : vector<2560x80xf32>
    %mul3A_546 = vector.broadcast %get3A_59 : vector<1x80xf32> to vector<2560x80xf32>
    %mul3A_547 = arith.mulf %max3A_545, %mul3A_546 : vector<2560x80xf32>
    %reduce_sum3A_548 = arith.constant dense<0.000000e+00> : vector<2560xf32>
    %reduce_sum3A_549 = vector.multi_reduction <add>, %mul3A_547, %reduce_sum3A_548 [1] : vector<2560x80xf32> to vector<2560xf32>
    %broadcast_in_dim3A_550 = vector.shape_cast %reduce_sum3A_549 : vector<2560xf32> to vector<2560x1xf32>
    %get3A_551 = arith.constant 0 : index
    %get3A_552 = arith.constant 45 : index
    %get3A_553 = vector.load %arg2[%get3A_551, %get3A_552] : memref<2560x50xi32, #tpu.memory_space<vmem>>, vector<2560x1xi32>
    %eq3A_554 = vector.broadcast %get3A_553 : vector<2560x1xi32> to vector<2560x128xi32>
    %eq3A_555 = vector.broadcast %iota3A : vector<1x128xi32> to vector<2560x128xi32>
    %eq3A_556 = arith.cmpi eq, %eq3A_554, %eq3A_555 : vector<2560x128xi32>
    %convert_element_type3A_557 = arith.extui %eq3A_556 : vector<2560x128xi1> to vector<2560x128xi32>
    %convert_element_type3A_558 = arith.sitofp %convert_element_type3A_557 : vector<2560x128xi32> to vector<2560x128xf32>
    %get3A_559 = arith.constant 0 : index
    %get3A_560 = arith.constant 46 : index
    %get3A_561 = vector.load %arg2[%get3A_559, %get3A_560] : memref<2560x50xi32, #tpu.memory_space<vmem>>, vector<2560x1xi32>
    %eq3A_562 = vector.broadcast %get3A_561 : vector<2560x1xi32> to vector<2560x128xi32>
    %eq3A_563 = vector.broadcast %iota3A : vector<1x128xi32> to vector<2560x128xi32>
    %eq3A_564 = arith.cmpi eq, %eq3A_562, %eq3A_563 : vector<2560x128xi32>
    %convert_element_type3A_565 = arith.extui %eq3A_564 : vector<2560x128xi1> to vector<2560x128xi32>
    %convert_element_type3A_566 = arith.sitofp %convert_element_type3A_565 : vector<2560x128xi32> to vector<2560x128xf32>
    %add3A_567 = arith.addf %convert_element_type3A_558, %convert_element_type3A_566 : vector<2560x128xf32>
    %get3A_568 = arith.constant 0 : index
    %get3A_569 = arith.constant 47 : index
    %get3A_570 = vector.load %arg2[%get3A_568, %get3A_569] : memref<2560x50xi32, #tpu.memory_space<vmem>>, vector<2560x1xi32>
    %eq3A_571 = vector.broadcast %get3A_570 : vector<2560x1xi32> to vector<2560x128xi32>
    %eq3A_572 = vector.broadcast %iota3A : vector<1x128xi32> to vector<2560x128xi32>
    %eq3A_573 = arith.cmpi eq, %eq3A_571, %eq3A_572 : vector<2560x128xi32>
    %convert_element_type3A_574 = arith.extui %eq3A_573 : vector<2560x128xi1> to vector<2560x128xi32>
    %convert_element_type3A_575 = arith.sitofp %convert_element_type3A_574 : vector<2560x128xi32> to vector<2560x128xf32>
    %add3A_576 = arith.addf %add3A_567, %convert_element_type3A_575 : vector<2560x128xf32>
    %get3A_577 = arith.constant 0 : index
    %get3A_578 = arith.constant 48 : index
    %get3A_579 = vector.load %arg2[%get3A_577, %get3A_578] : memref<2560x50xi32, #tpu.memory_space<vmem>>, vector<2560x1xi32>
    %eq3A_580 = vector.broadcast %get3A_579 : vector<2560x1xi32> to vector<2560x128xi32>
    %eq3A_581 = vector.broadcast %iota3A : vector<1x128xi32> to vector<2560x128xi32>
    %eq3A_582 = arith.cmpi eq, %eq3A_580, %eq3A_581 : vector<2560x128xi32>
    %convert_element_type3A_583 = arith.extui %eq3A_582 : vector<2560x128xi1> to vector<2560x128xi32>
    %convert_element_type3A_584 = arith.sitofp %convert_element_type3A_583 : vector<2560x128xi32> to vector<2560x128xf32>
    %add3A_585 = arith.addf %add3A_576, %convert_element_type3A_584 : vector<2560x128xf32>
    %get3A_586 = arith.constant 0 : index
    %get3A_587 = arith.constant 49 : index
    %get3A_588 = vector.load %arg2[%get3A_586, %get3A_587] : memref<2560x50xi32, #tpu.memory_space<vmem>>, vector<2560x1xi32>
    %eq3A_589 = vector.broadcast %get3A_588 : vector<2560x1xi32> to vector<2560x128xi32>
    %eq3A_590 = vector.broadcast %iota3A : vector<1x128xi32> to vector<2560x128xi32>
    %eq3A_591 = arith.cmpi eq, %eq3A_589, %eq3A_590 : vector<2560x128xi32>
    %convert_element_type3A_592 = arith.extui %eq3A_591 : vector<2560x128xi1> to vector<2560x128xi32>
    %convert_element_type3A_593 = arith.sitofp %convert_element_type3A_592 : vector<2560x128xi32> to vector<2560x128xf32>
    %add3A_594 = arith.addf %add3A_585, %convert_element_type3A_593 : vector<2560x128xf32>
    %dot_general3A_595 = arith.constant dense<0.000000e+00> : vector<2560x80xf32>
    %dot_general3A_596 = tpu.matmul %add3A_594, %dot_general3A_5, %dot_general3A_595 {dimension_numbers = #tpu.dot_dimension_numbers<[1], [0], [0], [1], [0, 0, 1, 1], [], []>, transpose_lhs_hint = false} : vector<2560x128xf32>, vector<128x80xf32>, vector<2560x80xf32> -> vector<2560x80xf32>
    %add3A_597 = arith.addf %dot_general3A_596, %add3A_56 : vector<2560x80xf32>
    %max3A_598 = arith.constant 0.000000e+00 : f32
    %max3A_599 = vector.broadcast %max3A_598 : f32 to vector<2560x80xf32>
    %max3A_600 = arith.maximumf %add3A_597, %max3A_599 : vector<2560x80xf32>
    %mul3A_601 = vector.broadcast %get3A_59 : vector<1x80xf32> to vector<2560x80xf32>
    %mul3A_602 = arith.mulf %max3A_600, %mul3A_601 : vector<2560x80xf32>
    %reduce_sum3A_603 = arith.constant dense<0.000000e+00> : vector<2560xf32>
    %reduce_sum3A_604 = vector.multi_reduction <add>, %mul3A_602, %reduce_sum3A_603 [1] : vector<2560x80xf32> to vector<2560xf32>
    %broadcast_in_dim3A_605 = vector.shape_cast %reduce_sum3A_604 : vector<2560xf32> to vector<2560x1xf32>
    %concatenate3A = tpu.concatenate %broadcast_in_dim3A, %broadcast_in_dim3A_165, %broadcast_in_dim3A_220, %broadcast_in_dim3A_275, %broadcast_in_dim3A_330, %broadcast_in_dim3A_385, %broadcast_in_dim3A_440, %broadcast_in_dim3A_495, %broadcast_in_dim3A_550, %broadcast_in_dim3A_605 in 1 : vector<2560x1xf32>, vector<2560x1xf32>, vector<2560x1xf32>, vector<2560x1xf32>, vector<2560x1xf32>, vector<2560x1xf32>, vector<2560x1xf32>, vector<2560x1xf32>, vector<2560x1xf32>, vector<2560x1xf32> -> vector<2560x10xf32>
    %get3A_606 = arith.constant 0 : index
    %get3A_607 = arith.constant 0 : index
    %get3A_608 = vector.load %arg3[%get3A_606, %get3A_607] : memref<2560x10xi32, #tpu.memory_space<vmem>>, vector<2560x10xi32>
    %ne3A = arith.constant 0 : i32
    %ne3A_609 = vector.broadcast %ne3A : i32 to vector<2560x10xi32>
    %ne3A_610 = arith.cmpi ne, %get3A_608, %ne3A_609 : vector<2560x10xi32>
    %jit3A = arith.constant -1.07374182E+9 : f32
    %broadcast_in_dim3A_611 = vector.broadcast %jit3A : f32 to vector<2560x10xf32>
    %select_n3A = arith.select %ne3A_610, %concatenate3A, %broadcast_in_dim3A_611 : vector<2560x10xi1>, vector<2560x10xf32>
    %reduce_max3A = arith.constant dense<0xFF800000> : vector<2560xf32>
    %reduce_max3A_612 = vector.multi_reduction <maximumf>, %select_n3A, %reduce_max3A [1] : vector<2560x10xf32> to vector<2560xf32>
    %broadcast_in_dim3A_613 = vector.shape_cast %reduce_max3A_612 : vector<2560xf32> to vector<2560x1xf32>
    %sub3A = vector.broadcast %broadcast_in_dim3A_613 : vector<2560x1xf32> to vector<2560x10xf32>
    %sub3A_614 = arith.subf %select_n3A, %sub3A : vector<2560x10xf32>
    %exp3A = math.exp %sub3A_614 : vector<2560x10xf32>
    %reduce_sum3A_615 = arith.constant dense<0.000000e+00> : vector<2560xf32>
    %reduce_sum3A_616 = vector.multi_reduction <add>, %exp3A, %reduce_sum3A_615 [1] : vector<2560x10xf32> to vector<2560xf32>
    %broadcast_in_dim3A_617 = vector.shape_cast %reduce_sum3A_616 : vector<2560xf32> to vector<2560x1xf32>
    %div3A = vector.broadcast %broadcast_in_dim3A_617 : vector<2560x1xf32> to vector<2560x10xf32>
    %div3A_618 = arith.divf %exp3A, %div3A : vector<2560x10xf32>
    %slice3A_619 = vector.extract_strided_slice %div3A_618 {offsets = [0, 0], sizes = [2560, 1], strides = [1, 1]} : vector<2560x10xf32> to vector<2560x1xf32>
    %mul3A_620 = vector.broadcast %slice3A_619 : vector<2560x1xf32> to vector<2560x128xf32>
    %mul3A_621 = arith.mulf %mul3A_620, %add3A_103 : vector<2560x128xf32>
    %slice3A_622 = vector.extract_strided_slice %div3A_618 {offsets = [0, 1], sizes = [2560, 1], strides = [1, 1]} : vector<2560x10xf32> to vector<2560x1xf32>
    %mul3A_623 = vector.broadcast %slice3A_622 : vector<2560x1xf32> to vector<2560x128xf32>
    %mul3A_624 = arith.mulf %mul3A_623, %add3A_154 : vector<2560x128xf32>
    %add3A_625 = arith.addf %mul3A_621, %mul3A_624 : vector<2560x128xf32>
    %slice3A_626 = vector.extract_strided_slice %div3A_618 {offsets = [0, 2], sizes = [2560, 1], strides = [1, 1]} : vector<2560x10xf32> to vector<2560x1xf32>
    %mul3A_627 = vector.broadcast %slice3A_626 : vector<2560x1xf32> to vector<2560x128xf32>
    %mul3A_628 = arith.mulf %mul3A_627, %add3A_209 : vector<2560x128xf32>
    %add3A_629 = arith.addf %add3A_625, %mul3A_628 : vector<2560x128xf32>
    %slice3A_630 = vector.extract_strided_slice %div3A_618 {offsets = [0, 3], sizes = [2560, 1], strides = [1, 1]} : vector<2560x10xf32> to vector<2560x1xf32>
    %mul3A_631 = vector.broadcast %slice3A_630 : vector<2560x1xf32> to vector<2560x128xf32>
    %mul3A_632 = arith.mulf %mul3A_631, %add3A_264 : vector<2560x128xf32>
    %add3A_633 = arith.addf %add3A_629, %mul3A_632 : vector<2560x128xf32>
    %slice3A_634 = vector.extract_strided_slice %div3A_618 {offsets = [0, 4], sizes = [2560, 1], strides = [1, 1]} : vector<2560x10xf32> to vector<2560x1xf32>
    %mul3A_635 = vector.broadcast %slice3A_634 : vector<2560x1xf32> to vector<2560x128xf32>
    %mul3A_636 = arith.mulf %mul3A_635, %add3A_319 : vector<2560x128xf32>
    %add3A_637 = arith.addf %add3A_633, %mul3A_636 : vector<2560x128xf32>
    %slice3A_638 = vector.extract_strided_slice %div3A_618 {offsets = [0, 5], sizes = [2560, 1], strides = [1, 1]} : vector<2560x10xf32> to vector<2560x1xf32>
    %mul3A_639 = vector.broadcast %slice3A_638 : vector<2560x1xf32> to vector<2560x128xf32>
    %mul3A_640 = arith.mulf %mul3A_639, %add3A_374 : vector<2560x128xf32>
    %add3A_641 = arith.addf %add3A_637, %mul3A_640 : vector<2560x128xf32>
    %slice3A_642 = vector.extract_strided_slice %div3A_618 {offsets = [0, 6], sizes = [2560, 1], strides = [1, 1]} : vector<2560x10xf32> to vector<2560x1xf32>
    %mul3A_643 = vector.broadcast %slice3A_642 : vector<2560x1xf32> to vector<2560x128xf32>
    %mul3A_644 = arith.mulf %mul3A_643, %add3A_429 : vector<2560x128xf32>
    %add3A_645 = arith.addf %add3A_641, %mul3A_644 : vector<2560x128xf32>
    %slice3A_646 = vector.extract_strided_slice %div3A_618 {offsets = [0, 7], sizes = [2560, 1], strides = [1, 1]} : vector<2560x10xf32> to vector<2560x1xf32>
    %mul3A_647 = vector.broadcast %slice3A_646 : vector<2560x1xf32> to vector<2560x128xf32>
    %mul3A_648 = arith.mulf %mul3A_647, %add3A_484 : vector<2560x128xf32>
    %add3A_649 = arith.addf %add3A_645, %mul3A_648 : vector<2560x128xf32>
    %slice3A_650 = vector.extract_strided_slice %div3A_618 {offsets = [0, 8], sizes = [2560, 1], strides = [1, 1]} : vector<2560x10xf32> to vector<2560x1xf32>
    %mul3A_651 = vector.broadcast %slice3A_650 : vector<2560x1xf32> to vector<2560x128xf32>
    %mul3A_652 = arith.mulf %mul3A_651, %add3A_539 : vector<2560x128xf32>
    %add3A_653 = arith.addf %add3A_649, %mul3A_652 : vector<2560x128xf32>
    %slice3A_654 = vector.extract_strided_slice %div3A_618 {offsets = [0, 9], sizes = [2560, 1], strides = [1, 1]} : vector<2560x10xf32> to vector<2560x1xf32>
    %mul3A_655 = vector.broadcast %slice3A_654 : vector<2560x1xf32> to vector<2560x128xf32>
    %mul3A_656 = arith.mulf %mul3A_655, %add3A_594 : vector<2560x128xf32>
    %add3A_657 = arith.addf %add3A_653, %mul3A_656 : vector<2560x128xf32>
    %get3A_658 = arith.constant 0 : index
    %get3A_659 = arith.constant 0 : index
    %get3A_660 = vector.load %arg4[%get3A_658, %get3A_659] : memref<128x1xf32, #tpu.memory_space<vmem>>, vector<128x1xf32>
    %reshape3A = vector.shape_cast %add3A_657 : vector<2560x128xf32> to vector<128x20x128xf32>
    %reduce_sum3A_661 = arith.constant dense<0.000000e+00> : vector<128x128xf32>
    %reduce_sum3A_662 = vector.multi_reduction <add>, %reshape3A, %reduce_sum3A_661 [1] : vector<128x20x128xf32> to vector<128x128xf32>
    %div3A_663 = vector.broadcast %get3A_660 : vector<128x1xf32> to vector<128x128xf32>
    %div3A_664 = arith.divf %reduce_sum3A_662, %div3A_663 : vector<128x128xf32>
    %reshape3A_665 = vector.shape_cast %add3A_49 : vector<2560x128xf32> to vector<128x20x128xf32>
    %reduce_sum3A_666 = arith.constant dense<0.000000e+00> : vector<128x128xf32>
    %reduce_sum3A_667 = vector.multi_reduction <add>, %reshape3A_665, %reduce_sum3A_666 [1] : vector<128x20x128xf32> to vector<128x128xf32>
    %div3A_668 = vector.broadcast %get3A_660 : vector<128x1xf32> to vector<128x128xf32>
    %div3A_669 = arith.divf %reduce_sum3A_667, %div3A_668 : vector<128x128xf32>
    %dot_general3A_670 = arith.constant dense<0.000000e+00> : vector<128x160xf32>
    %dot_general3A_671 = tpu.matmul %div3A_664, %get3A_1, %dot_general3A_670 {dimension_numbers = #tpu.dot_dimension_numbers<[1], [0], [0], [1], [0, 0, 1, 1], [], []>, transpose_lhs_hint = false} : vector<128x128xf32>, vector<128x160xf32>, vector<128x160xf32> -> vector<128x160xf32>
    %swap3A = arith.constant 0 : index
    %swap3A_672 = arith.constant 0 : index
    %swap3A_673 = vector.load %arg10[%swap3A, %swap3A_672] : memref<128x160xf32, #tpu.memory_space<vmem>>, vector<128x160xf32>
    tpu.vector_store %arg10[%swap3A, %swap3A_672], %dot_general3A_671 {strides = array<i32>} : memref<128x160xf32, #tpu.memory_space<vmem>>, vector<128x160xf32>,
    %dot_general3A_674 = arith.constant dense<0.000000e+00> : vector<128x160xf32>
    %dot_general3A_675 = tpu.matmul %div3A_669, %get3A_1, %dot_general3A_674 {dimension_numbers = #tpu.dot_dimension_numbers<[1], [0], [0], [1], [0, 0, 1, 1], [], []>, transpose_lhs_hint = false} : vector<128x128xf32>, vector<128x160xf32>, vector<128x160xf32> -> vector<128x160xf32>
    %swap3A_676 = arith.constant 0 : index
    %swap3A_677 = arith.constant 0 : index
    %swap3A_678 = vector.load %arg9[%swap3A_676, %swap3A_677] : memref<128x160xf32, #tpu.memory_space<vmem>>, vector<128x160xf32>
    tpu.vector_store %arg9[%swap3A_676, %swap3A_677], %dot_general3A_675 {strides = array<i32>} : memref<128x160xf32, #tpu.memory_space<vmem>>, vector<128x160xf32>,
    return
  }
  func.func @transform_0(%arg0: i32) -> (i32, i32) {
    %c0_i32 = arith.constant 0 : i32
    %c0_i32_0 = arith.constant 0 : i32
    return %arg0, %c0_i32 : i32, i32
  }
  func.func @transform_1(%arg0: i32) -> (i32, i32) {
    %c0_i32 = arith.constant 0 : i32
    %c0_i32_0 = arith.constant 0 : i32
    return %arg0, %c0_i32 : i32, i32
  }
  func.func @transform_2(%arg0: i32) -> (i32, i32) {
    %c0_i32 = arith.constant 0 : i32
    %c0_i32_0 = arith.constant 0 : i32
    return %arg0, %c0_i32 : i32, i32
  }
  func.func @transform_3(%arg0: i32) -> (i32, i32) {
    %c0_i32 = arith.constant 0 : i32
    %c0_i32_0 = arith.constant 0 : i32
    return %arg0, %c0_i32 : i32, i32
  }
  func.func @transform_4(%arg0: i32) -> (i32, i32) {
    %c0_i32 = arith.constant 0 : i32
    %c0_i32_0 = arith.constant 0 : i32
    %c0_i32_1 = arith.constant 0 : i32
    return %c0_i32, %c0_i32_0 : i32, i32
  }
  func.func @transform_5(%arg0: i32) -> (i32, i32) {
    %c0_i32 = arith.constant 0 : i32
    %c0_i32_0 = arith.constant 0 : i32
    %c0_i32_1 = arith.constant 0 : i32
    return %c0_i32, %c0_i32_0 : i32, i32
  }
  func.func @transform_6(%arg0: i32) -> (i32, i32) {
    %c0_i32 = arith.constant 0 : i32
    %c0_i32_0 = arith.constant 0 : i32
    %c0_i32_1 = arith.constant 0 : i32
    return %c0_i32, %c0_i32_0 : i32, i32
  }
  func.func @transform_7(%arg0: i32) -> (i32, i32) {
    %c0_i32 = arith.constant 0 : i32
    %c0_i32_0 = arith.constant 0 : i32
    %c0_i32_1 = arith.constant 0 : i32
    return %c0_i32, %c0_i32_0 : i32, i32
  }
  func.func @transform_8(%arg0: i32) -> (i32, i32) {
    %c0_i32 = arith.constant 0 : i32
    %c0_i32_0 = arith.constant 0 : i32
    return %arg0, %c0_i32 : i32, i32
  }
  func.func @transform_9(%arg0: i32) -> (i32, i32) {
    %c0_i32 = arith.constant 0 : i32
    %c0_i32_0 = arith.constant 0 : i32
    return %arg0, %c0_i32 : i32, i32
  }
}

module attributes {stable_mosaic.version = 14 : i64} {
  func.func @_enc_body(%arg0: memref<1024x12xi32, #tpu.memory_space<vmem>>, %arg1: memref<4x1024xi32, #tpu.memory_space<smem>>, %arg2: memref<1024x4xi32, #tpu.memory_space<vmem>>, %arg3: memref<1024x160xf32, #tpu.memory_space<vmem>>, %arg4: memref<1024x160xf32, #tpu.memory_space<vmem>>, %arg5: memref<250000x128xf32, #tpu.memory_space<any>>, %arg6: memref<25000x128xf32, #tpu.memory_space<any>>, %arg7: memref<250000x128xf32, #tpu.memory_space<any>>, %arg8: memref<25000x128xf32, #tpu.memory_space<any>>, %arg9: memref<9x32xf32, #tpu.memory_space<vmem>>, %arg10: memref<26x32xf32, #tpu.memory_space<vmem>>, %arg11: memref<62x32xf32, #tpu.memory_space<vmem>>, %arg12: memref<4x32xf32, #tpu.memory_space<vmem>>, %arg13: memref<102x32xf32, #tpu.memory_space<vmem>>, %arg14: memref<66x32xf32, #tpu.memory_space<vmem>>, %arg15: memref<1002x32xf32, #tpu.memory_space<vmem>>, %arg16: memref<102x32xf32, #tpu.memory_space<vmem>>, %arg17: memref<22x32xf32, #tpu.memory_space<vmem>>, %arg18: memref<576x128xf32, #tpu.memory_space<vmem>>, %arg19: memref<1x128xf32, #tpu.memory_space<vmem>>, %arg20: memref<128x64xf32, #tpu.memory_space<vmem>>, %arg21: memref<1x64xf32, #tpu.memory_space<vmem>>, %arg22: memref<64x32xf32, #tpu.memory_space<vmem>>, %arg23: memref<1x32xf32, #tpu.memory_space<vmem>>, %arg24: memref<256x128xf32, #tpu.memory_space<vmem>>, %arg25: memref<1x128xf32, #tpu.memory_space<vmem>>, %arg26: memref<128x64xf32, #tpu.memory_space<vmem>>, %arg27: memref<1x64xf32, #tpu.memory_space<vmem>>, %arg28: memref<64x32xf32, #tpu.memory_space<vmem>>, %arg29: memref<1x32xf32, #tpu.memory_space<vmem>>, %arg30: memref<1024x1xf32, #tpu.memory_space<vmem>>, %arg31: memref<4x1024x128xf32, #tpu.memory_space<vmem>>, %arg32: memref<!tpu.dma_semaphore, #tpu.memory_space<semaphore_mem>>) attributes {dimension_semantics = [], scalar_prefetch = 0 : i64, scratch_operands = 2 : i64, tpu.core_type = #tpu.core_type<tc>} {
    %scan3A = arith.constant 0 : i32
    %scan3A_0 = arith.constant 1024 : i32
    %scan3A_1 = arith.addi %scan3A, %scan3A_0 : i32
    %scan3A_2 = arith.constant 1 : i32
    scf.for %scan3A_548 = %scan3A to %scan3A_1 step %scan3A_2  : i32 {
      %get3A_549 = arith.constant 0 : index
      %get3A_550 = arith.index_cast %scan3A_548 : i32 to index
      %get3A_551 = memref.load %arg1[%get3A_549, %get3A_550] : memref<4x1024xi32, #tpu.memory_space<smem>>
      %jit3A_552 = arith.constant 4 : i32
      %div3A = arith.divsi %get3A_551, %jit3A_552 : i32
      %sign3A = arith.constant 0 : i32
      %sign3A_553 = arith.cmpi sgt, %get3A_551, %sign3A : i32
      %sign3A_554 = arith.extui %sign3A_553 : i1 to i32
      %sign3A_555 = arith.constant 0 : i32
      %sign3A_556 = arith.cmpi slt, %get3A_551, %sign3A_555 : i32
      %sign3A_557 = arith.extui %sign3A_556 : i1 to i32
      %sign3A_558 = arith.subi %sign3A_554, %sign3A_557 : i32
      %sign3A_559 = arith.constant 0 : i32
      %sign3A_560 = arith.cmpi sgt, %jit3A_552, %sign3A_559 : i32
      %sign3A_561 = arith.extui %sign3A_560 : i1 to i32
      %sign3A_562 = arith.constant 0 : i32
      %sign3A_563 = arith.cmpi slt, %jit3A_552, %sign3A_562 : i32
      %sign3A_564 = arith.extui %sign3A_563 : i1 to i32
      %sign3A_565 = arith.subi %sign3A_561, %sign3A_564 : i32
      %ne3A_566 = arith.cmpi ne, %sign3A_558, %sign3A_565 : i32
      %rem3A_567 = arith.remsi %get3A_551, %jit3A_552 : i32
      %ne3A_568 = arith.constant 0 : i32
      %ne3A_569 = arith.cmpi ne, %rem3A_567, %ne3A_568 : i32
      %and3A_570 = arith.andi %ne3A_566, %ne3A_569 : i1
      %sub3A = arith.constant 1 : i32
      %sub3A_571 = arith.subi %div3A, %sub3A : i32
      %select_n3A_572 = arith.select %and3A_570, %sub3A_571, %div3A : i32
      %dma_start3A = arith.constant 0 : i32
      %dma_start3A_573 = arith.constant 0 : i32
      %dma_start3A_574 = tpu.memref_slice %arg31[%dma_start3A, %scan3A_548, %dma_start3A_573] : memref<4x1024x128xf32, #tpu.memory_space<vmem>> -> memref<1x1x128xf32, #tpu.memory_space<vmem>>
      %dma_start3A_575 = tpu.memref_squeeze %dma_start3A_574 : memref<1x1x128xf32, #tpu.memory_space<vmem>> -> memref<1x128xf32, #tpu.memory_space<vmem>>
      %dma_start3A_576 = arith.constant 0 : i32
      %dma_start3A_577 = tpu.memref_slice %arg5[%select_n3A_572, %dma_start3A_576] : memref<250000x128xf32, #tpu.memory_space<any>> -> memref<1x128xf32, #tpu.memory_space<any>>
      tpu.enqueue_dma source(%dma_start3A_577 : memref<1x128xf32, #tpu.memory_space<any>>) target(%dma_start3A_575 : memref<1x128xf32, #tpu.memory_space<vmem>>) target_semaphore(%arg32 : memref<!tpu.dma_semaphore, #tpu.memory_space<semaphore_mem>>)
      %get3A_578 = arith.constant 1 : index
      %get3A_579 = arith.index_cast %scan3A_548 : i32 to index
      %get3A_580 = memref.load %arg1[%get3A_578, %get3A_579] : memref<4x1024xi32, #tpu.memory_space<smem>>
      %jit3A_581 = arith.constant 4 : i32
      %div3A_582 = arith.divsi %get3A_580, %jit3A_581 : i32
      %sign3A_583 = arith.constant 0 : i32
      %sign3A_584 = arith.cmpi sgt, %get3A_580, %sign3A_583 : i32
      %sign3A_585 = arith.extui %sign3A_584 : i1 to i32
      %sign3A_586 = arith.constant 0 : i32
      %sign3A_587 = arith.cmpi slt, %get3A_580, %sign3A_586 : i32
      %sign3A_588 = arith.extui %sign3A_587 : i1 to i32
      %sign3A_589 = arith.subi %sign3A_585, %sign3A_588 : i32
      %sign3A_590 = arith.constant 0 : i32
      %sign3A_591 = arith.cmpi sgt, %jit3A_581, %sign3A_590 : i32
      %sign3A_592 = arith.extui %sign3A_591 : i1 to i32
      %sign3A_593 = arith.constant 0 : i32
      %sign3A_594 = arith.cmpi slt, %jit3A_581, %sign3A_593 : i32
      %sign3A_595 = arith.extui %sign3A_594 : i1 to i32
      %sign3A_596 = arith.subi %sign3A_592, %sign3A_595 : i32
      %ne3A_597 = arith.cmpi ne, %sign3A_589, %sign3A_596 : i32
      %rem3A_598 = arith.remsi %get3A_580, %jit3A_581 : i32
      %ne3A_599 = arith.constant 0 : i32
      %ne3A_600 = arith.cmpi ne, %rem3A_598, %ne3A_599 : i32
      %and3A_601 = arith.andi %ne3A_597, %ne3A_600 : i1
      %sub3A_602 = arith.constant 1 : i32
      %sub3A_603 = arith.subi %div3A_582, %sub3A_602 : i32
      %select_n3A_604 = arith.select %and3A_601, %sub3A_603, %div3A_582 : i32
      %dma_start3A_605 = arith.constant 1 : i32
      %dma_start3A_606 = arith.constant 0 : i32
      %dma_start3A_607 = tpu.memref_slice %arg31[%dma_start3A_605, %scan3A_548, %dma_start3A_606] : memref<4x1024x128xf32, #tpu.memory_space<vmem>> -> memref<1x1x128xf32, #tpu.memory_space<vmem>>
      %dma_start3A_608 = tpu.memref_squeeze %dma_start3A_607 : memref<1x1x128xf32, #tpu.memory_space<vmem>> -> memref<1x128xf32, #tpu.memory_space<vmem>>
      %dma_start3A_609 = arith.constant 0 : i32
      %dma_start3A_610 = tpu.memref_slice %arg6[%select_n3A_604, %dma_start3A_609] : memref<25000x128xf32, #tpu.memory_space<any>> -> memref<1x128xf32, #tpu.memory_space<any>>
      tpu.enqueue_dma source(%dma_start3A_610 : memref<1x128xf32, #tpu.memory_space<any>>) target(%dma_start3A_608 : memref<1x128xf32, #tpu.memory_space<vmem>>) target_semaphore(%arg32 : memref<!tpu.dma_semaphore, #tpu.memory_space<semaphore_mem>>)
      %get3A_611 = arith.constant 2 : index
      %get3A_612 = arith.index_cast %scan3A_548 : i32 to index
      %get3A_613 = memref.load %arg1[%get3A_611, %get3A_612] : memref<4x1024xi32, #tpu.memory_space<smem>>
      %jit3A_614 = arith.constant 4 : i32
      %div3A_615 = arith.divsi %get3A_613, %jit3A_614 : i32
      %sign3A_616 = arith.constant 0 : i32
      %sign3A_617 = arith.cmpi sgt, %get3A_613, %sign3A_616 : i32
      %sign3A_618 = arith.extui %sign3A_617 : i1 to i32
      %sign3A_619 = arith.constant 0 : i32
      %sign3A_620 = arith.cmpi slt, %get3A_613, %sign3A_619 : i32
      %sign3A_621 = arith.extui %sign3A_620 : i1 to i32
      %sign3A_622 = arith.subi %sign3A_618, %sign3A_621 : i32
      %sign3A_623 = arith.constant 0 : i32
      %sign3A_624 = arith.cmpi sgt, %jit3A_614, %sign3A_623 : i32
      %sign3A_625 = arith.extui %sign3A_624 : i1 to i32
      %sign3A_626 = arith.constant 0 : i32
      %sign3A_627 = arith.cmpi slt, %jit3A_614, %sign3A_626 : i32
      %sign3A_628 = arith.extui %sign3A_627 : i1 to i32
      %sign3A_629 = arith.subi %sign3A_625, %sign3A_628 : i32
      %ne3A_630 = arith.cmpi ne, %sign3A_622, %sign3A_629 : i32
      %rem3A_631 = arith.remsi %get3A_613, %jit3A_614 : i32
      %ne3A_632 = arith.constant 0 : i32
      %ne3A_633 = arith.cmpi ne, %rem3A_631, %ne3A_632 : i32
      %and3A_634 = arith.andi %ne3A_630, %ne3A_633 : i1
      %sub3A_635 = arith.constant 1 : i32
      %sub3A_636 = arith.subi %div3A_615, %sub3A_635 : i32
      %select_n3A_637 = arith.select %and3A_634, %sub3A_636, %div3A_615 : i32
      %dma_start3A_638 = arith.constant 2 : i32
      %dma_start3A_639 = arith.constant 0 : i32
      %dma_start3A_640 = tpu.memref_slice %arg31[%dma_start3A_638, %scan3A_548, %dma_start3A_639] : memref<4x1024x128xf32, #tpu.memory_space<vmem>> -> memref<1x1x128xf32, #tpu.memory_space<vmem>>
      %dma_start3A_641 = tpu.memref_squeeze %dma_start3A_640 : memref<1x1x128xf32, #tpu.memory_space<vmem>> -> memref<1x128xf32, #tpu.memory_space<vmem>>
      %dma_start3A_642 = arith.constant 0 : i32
      %dma_start3A_643 = tpu.memref_slice %arg7[%select_n3A_637, %dma_start3A_642] : memref<250000x128xf32, #tpu.memory_space<any>> -> memref<1x128xf32, #tpu.memory_space<any>>
      tpu.enqueue_dma source(%dma_start3A_643 : memref<1x128xf32, #tpu.memory_space<any>>) target(%dma_start3A_641 : memref<1x128xf32, #tpu.memory_space<vmem>>) target_semaphore(%arg32 : memref<!tpu.dma_semaphore, #tpu.memory_space<semaphore_mem>>)
      %get3A_644 = arith.constant 3 : index
      %get3A_645 = arith.index_cast %scan3A_548 : i32 to index
      %get3A_646 = memref.load %arg1[%get3A_644, %get3A_645] : memref<4x1024xi32, #tpu.memory_space<smem>>
      %jit3A_647 = arith.constant 4 : i32
      %div3A_648 = arith.divsi %get3A_646, %jit3A_647 : i32
      %sign3A_649 = arith.constant 0 : i32
      %sign3A_650 = arith.cmpi sgt, %get3A_646, %sign3A_649 : i32
      %sign3A_651 = arith.extui %sign3A_650 : i1 to i32
      %sign3A_652 = arith.constant 0 : i32
      %sign3A_653 = arith.cmpi slt, %get3A_646, %sign3A_652 : i32
      %sign3A_654 = arith.extui %sign3A_653 : i1 to i32
      %sign3A_655 = arith.subi %sign3A_651, %sign3A_654 : i32
      %sign3A_656 = arith.constant 0 : i32
      %sign3A_657 = arith.cmpi sgt, %jit3A_647, %sign3A_656 : i32
      %sign3A_658 = arith.extui %sign3A_657 : i1 to i32
      %sign3A_659 = arith.constant 0 : i32
      %sign3A_660 = arith.cmpi slt, %jit3A_647, %sign3A_659 : i32
      %sign3A_661 = arith.extui %sign3A_660 : i1 to i32
      %sign3A_662 = arith.subi %sign3A_658, %sign3A_661 : i32
      %ne3A_663 = arith.cmpi ne, %sign3A_655, %sign3A_662 : i32
      %rem3A_664 = arith.remsi %get3A_646, %jit3A_647 : i32
      %ne3A_665 = arith.constant 0 : i32
      %ne3A_666 = arith.cmpi ne, %rem3A_664, %ne3A_665 : i32
      %and3A_667 = arith.andi %ne3A_663, %ne3A_666 : i1
      %sub3A_668 = arith.constant 1 : i32
      %sub3A_669 = arith.subi %div3A_648, %sub3A_668 : i32
      %select_n3A_670 = arith.select %and3A_667, %sub3A_669, %div3A_648 : i32
      %dma_start3A_671 = arith.constant 3 : i32
      %dma_start3A_672 = arith.constant 0 : i32
      %dma_start3A_673 = tpu.memref_slice %arg31[%dma_start3A_671, %scan3A_548, %dma_start3A_672] : memref<4x1024x128xf32, #tpu.memory_space<vmem>> -> memref<1x1x128xf32, #tpu.memory_space<vmem>>
      %dma_start3A_674 = tpu.memref_squeeze %dma_start3A_673 : memref<1x1x128xf32, #tpu.memory_space<vmem>> -> memref<1x128xf32, #tpu.memory_space<vmem>>
      %dma_start3A_675 = arith.constant 0 : i32
      %dma_start3A_676 = tpu.memref_slice %arg8[%select_n3A_670, %dma_start3A_675] : memref<25000x128xf32, #tpu.memory_space<any>> -> memref<1x128xf32, #tpu.memory_space<any>>
      tpu.enqueue_dma source(%dma_start3A_676 : memref<1x128xf32, #tpu.memory_space<any>>) target(%dma_start3A_674 : memref<1x128xf32, #tpu.memory_space<vmem>>) target_semaphore(%arg32 : memref<!tpu.dma_semaphore, #tpu.memory_space<semaphore_mem>>)
    }
    %scan3A_3 = arith.constant 1024 : i32
    %iota3A = tpu.iota {dimensions = array<i32: 1>} : vector<1x9xi32>
    %get3A = arith.constant 0 : index
    %get3A_4 = arith.constant 0 : index
    %get3A_5 = vector.load %arg0[%get3A, %get3A_4] : memref<1024x12xi32, #tpu.memory_space<vmem>>, vector<1024x1xi32>
    %eq3A = vector.broadcast %get3A_5 : vector<1024x1xi32> to vector<1024x9xi32>
    %eq3A_6 = vector.broadcast %iota3A : vector<1x9xi32> to vector<1024x9xi32>
    %eq3A_7 = arith.cmpi eq, %eq3A, %eq3A_6 : vector<1024x9xi32>
    %convert_element_type3A = arith.extui %eq3A_7 : vector<1024x9xi1> to vector<1024x9xi32>
    %convert_element_type3A_8 = arith.sitofp %convert_element_type3A : vector<1024x9xi32> to vector<1024x9xf32>
    %get3A_9 = arith.constant 0 : index
    %get3A_10 = arith.constant 0 : index
    %get3A_11 = vector.load %arg9[%get3A_9, %get3A_10] : memref<9x32xf32, #tpu.memory_space<vmem>>, vector<9x32xf32>
    %dot_general3A = arith.constant dense<0.000000e+00> : vector<1024x32xf32>
    %dot_general3A_12 = tpu.matmul %convert_element_type3A_8, %get3A_11, %dot_general3A {dimension_numbers = #tpu.dot_dimension_numbers<[1], [0], [0], [1], [0, 0, 1, 1], [], []>, transpose_lhs_hint = false} : vector<1024x9xf32>, vector<9x32xf32>, vector<1024x32xf32> -> vector<1024x32xf32>
    %iota3A_13 = tpu.iota {dimensions = array<i32: 1>} : vector<1x26xi32>
    %get3A_14 = arith.constant 0 : index
    %get3A_15 = arith.constant 1 : index
    %get3A_16 = vector.load %arg0[%get3A_14, %get3A_15] : memref<1024x12xi32, #tpu.memory_space<vmem>>, vector<1024x1xi32>
    %eq3A_17 = vector.broadcast %get3A_16 : vector<1024x1xi32> to vector<1024x26xi32>
    %eq3A_18 = vector.broadcast %iota3A_13 : vector<1x26xi32> to vector<1024x26xi32>
    %eq3A_19 = arith.cmpi eq, %eq3A_17, %eq3A_18 : vector<1024x26xi32>
    %convert_element_type3A_20 = arith.extui %eq3A_19 : vector<1024x26xi1> to vector<1024x26xi32>
    %convert_element_type3A_21 = arith.sitofp %convert_element_type3A_20 : vector<1024x26xi32> to vector<1024x26xf32>
    %get3A_22 = arith.constant 0 : index
    %get3A_23 = arith.constant 0 : index
    %get3A_24 = vector.load %arg10[%get3A_22, %get3A_23] : memref<26x32xf32, #tpu.memory_space<vmem>>, vector<26x32xf32>
    %dot_general3A_25 = arith.constant dense<0.000000e+00> : vector<1024x32xf32>
    %dot_general3A_26 = tpu.matmul %convert_element_type3A_21, %get3A_24, %dot_general3A_25 {dimension_numbers = #tpu.dot_dimension_numbers<[1], [0], [0], [1], [0, 0, 1, 1], [], []>, transpose_lhs_hint = false} : vector<1024x26xf32>, vector<26x32xf32>, vector<1024x32xf32> -> vector<1024x32xf32>
    %iota3A_27 = tpu.iota {dimensions = array<i32: 1>} : vector<1x62xi32>
    %get3A_28 = arith.constant 0 : index
    %get3A_29 = arith.constant 2 : index
    %get3A_30 = vector.load %arg0[%get3A_28, %get3A_29] : memref<1024x12xi32, #tpu.memory_space<vmem>>, vector<1024x1xi32>
    %eq3A_31 = vector.broadcast %get3A_30 : vector<1024x1xi32> to vector<1024x62xi32>
    %eq3A_32 = vector.broadcast %iota3A_27 : vector<1x62xi32> to vector<1024x62xi32>
    %eq3A_33 = arith.cmpi eq, %eq3A_31, %eq3A_32 : vector<1024x62xi32>
    %convert_element_type3A_34 = arith.extui %eq3A_33 : vector<1024x62xi1> to vector<1024x62xi32>
    %convert_element_type3A_35 = arith.sitofp %convert_element_type3A_34 : vector<1024x62xi32> to vector<1024x62xf32>
    %get3A_36 = arith.constant 0 : index
    %get3A_37 = arith.constant 0 : index
    %get3A_38 = vector.load %arg11[%get3A_36, %get3A_37] : memref<62x32xf32, #tpu.memory_space<vmem>>, vector<62x32xf32>
    %dot_general3A_39 = arith.constant dense<0.000000e+00> : vector<1024x32xf32>
    %dot_general3A_40 = tpu.matmul %convert_element_type3A_35, %get3A_38, %dot_general3A_39 {dimension_numbers = #tpu.dot_dimension_numbers<[1], [0], [0], [1], [0, 0, 1, 1], [], []>, transpose_lhs_hint = false} : vector<1024x62xf32>, vector<62x32xf32>, vector<1024x32xf32> -> vector<1024x32xf32>
    %iota3A_41 = tpu.iota {dimensions = array<i32: 1>} : vector<1x4xi32>
    %get3A_42 = arith.constant 0 : index
    %get3A_43 = arith.constant 3 : index
    %get3A_44 = vector.load %arg0[%get3A_42, %get3A_43] : memref<1024x12xi32, #tpu.memory_space<vmem>>, vector<1024x1xi32>
    %eq3A_45 = vector.broadcast %get3A_44 : vector<1024x1xi32> to vector<1024x4xi32>
    %eq3A_46 = vector.broadcast %iota3A_41 : vector<1x4xi32> to vector<1024x4xi32>
    %eq3A_47 = arith.cmpi eq, %eq3A_45, %eq3A_46 : vector<1024x4xi32>
    %convert_element_type3A_48 = arith.extui %eq3A_47 : vector<1024x4xi1> to vector<1024x4xi32>
    %convert_element_type3A_49 = arith.sitofp %convert_element_type3A_48 : vector<1024x4xi32> to vector<1024x4xf32>
    %get3A_50 = arith.constant 0 : index
    %get3A_51 = arith.constant 0 : index
    %get3A_52 = vector.load %arg12[%get3A_50, %get3A_51] : memref<4x32xf32, #tpu.memory_space<vmem>>, vector<4x32xf32>
    %dot_general3A_53 = arith.constant dense<0.000000e+00> : vector<1024x32xf32>
    %dot_general3A_54 = tpu.matmul %convert_element_type3A_49, %get3A_52, %dot_general3A_53 {dimension_numbers = #tpu.dot_dimension_numbers<[1], [0], [0], [1], [0, 0, 1, 1], [], []>, transpose_lhs_hint = false} : vector<1024x4xf32>, vector<4x32xf32>, vector<1024x32xf32> -> vector<1024x32xf32>
    %iota3A_55 = tpu.iota {dimensions = array<i32: 1>} : vector<1x102xi32>
    %get3A_56 = arith.constant 0 : index
    %get3A_57 = arith.constant 4 : index
    %get3A_58 = vector.load %arg0[%get3A_56, %get3A_57] : memref<1024x12xi32, #tpu.memory_space<vmem>>, vector<1024x1xi32>
    %eq3A_59 = vector.broadcast %get3A_58 : vector<1024x1xi32> to vector<1024x102xi32>
    %eq3A_60 = vector.broadcast %iota3A_55 : vector<1x102xi32> to vector<1024x102xi32>
    %eq3A_61 = arith.cmpi eq, %eq3A_59, %eq3A_60 : vector<1024x102xi32>
    %convert_element_type3A_62 = arith.extui %eq3A_61 : vector<1024x102xi1> to vector<1024x102xi32>
    %convert_element_type3A_63 = arith.sitofp %convert_element_type3A_62 : vector<1024x102xi32> to vector<1024x102xf32>
    %get3A_64 = arith.constant 0 : index
    %get3A_65 = arith.constant 0 : index
    %get3A_66 = vector.load %arg13[%get3A_64, %get3A_65] : memref<102x32xf32, #tpu.memory_space<vmem>>, vector<102x32xf32>
    %dot_general3A_67 = arith.constant dense<0.000000e+00> : vector<1024x32xf32>
    %dot_general3A_68 = tpu.matmul %convert_element_type3A_63, %get3A_66, %dot_general3A_67 {dimension_numbers = #tpu.dot_dimension_numbers<[1], [0], [0], [1], [0, 0, 1, 1], [], []>, transpose_lhs_hint = false} : vector<1024x102xf32>, vector<102x32xf32>, vector<1024x32xf32> -> vector<1024x32xf32>
    %iota3A_69 = tpu.iota {dimensions = array<i32: 1>} : vector<1x66xi32>
    %get3A_70 = arith.constant 0 : index
    %get3A_71 = arith.constant 5 : index
    %get3A_72 = vector.load %arg0[%get3A_70, %get3A_71] : memref<1024x12xi32, #tpu.memory_space<vmem>>, vector<1024x1xi32>
    %eq3A_73 = vector.broadcast %get3A_72 : vector<1024x1xi32> to vector<1024x66xi32>
    %eq3A_74 = vector.broadcast %iota3A_69 : vector<1x66xi32> to vector<1024x66xi32>
    %eq3A_75 = arith.cmpi eq, %eq3A_73, %eq3A_74 : vector<1024x66xi32>
    %convert_element_type3A_76 = arith.extui %eq3A_75 : vector<1024x66xi1> to vector<1024x66xi32>
    %convert_element_type3A_77 = arith.sitofp %convert_element_type3A_76 : vector<1024x66xi32> to vector<1024x66xf32>
    %get3A_78 = arith.constant 0 : index
    %get3A_79 = arith.constant 0 : index
    %get3A_80 = vector.load %arg14[%get3A_78, %get3A_79] : memref<66x32xf32, #tpu.memory_space<vmem>>, vector<66x32xf32>
    %dot_general3A_81 = arith.constant dense<0.000000e+00> : vector<1024x32xf32>
    %dot_general3A_82 = tpu.matmul %convert_element_type3A_77, %get3A_80, %dot_general3A_81 {dimension_numbers = #tpu.dot_dimension_numbers<[1], [0], [0], [1], [0, 0, 1, 1], [], []>, transpose_lhs_hint = false} : vector<1024x66xf32>, vector<66x32xf32>, vector<1024x32xf32> -> vector<1024x32xf32>
    %iota3A_83 = tpu.iota {dimensions = array<i32: 1>} : vector<1x1002xi32>
    %get3A_84 = arith.constant 0 : index
    %get3A_85 = arith.constant 6 : index
    %get3A_86 = vector.load %arg0[%get3A_84, %get3A_85] : memref<1024x12xi32, #tpu.memory_space<vmem>>, vector<1024x1xi32>
    %eq3A_87 = vector.broadcast %get3A_86 : vector<1024x1xi32> to vector<1024x1002xi32>
    %eq3A_88 = vector.broadcast %iota3A_83 : vector<1x1002xi32> to vector<1024x1002xi32>
    %eq3A_89 = arith.cmpi eq, %eq3A_87, %eq3A_88 : vector<1024x1002xi32>
    %convert_element_type3A_90 = arith.extui %eq3A_89 : vector<1024x1002xi1> to vector<1024x1002xi32>
    %convert_element_type3A_91 = arith.sitofp %convert_element_type3A_90 : vector<1024x1002xi32> to vector<1024x1002xf32>
    %get3A_92 = arith.constant 0 : index
    %get3A_93 = arith.constant 0 : index
    %get3A_94 = vector.load %arg15[%get3A_92, %get3A_93] : memref<1002x32xf32, #tpu.memory_space<vmem>>, vector<1002x32xf32>
    %dot_general3A_95 = arith.constant dense<0.000000e+00> : vector<1024x32xf32>
    %dot_general3A_96 = tpu.matmul %convert_element_type3A_91, %get3A_94, %dot_general3A_95 {dimension_numbers = #tpu.dot_dimension_numbers<[1], [0], [0], [1], [0, 0, 1, 1], [], []>, transpose_lhs_hint = false} : vector<1024x1002xf32>, vector<1002x32xf32>, vector<1024x32xf32> -> vector<1024x32xf32>
    %iota3A_97 = tpu.iota {dimensions = array<i32: 1>} : vector<1x102xi32>
    %get3A_98 = arith.constant 0 : index
    %get3A_99 = arith.constant 7 : index
    %get3A_100 = vector.load %arg0[%get3A_98, %get3A_99] : memref<1024x12xi32, #tpu.memory_space<vmem>>, vector<1024x1xi32>
    %eq3A_101 = vector.broadcast %get3A_100 : vector<1024x1xi32> to vector<1024x102xi32>
    %eq3A_102 = vector.broadcast %iota3A_97 : vector<1x102xi32> to vector<1024x102xi32>
    %eq3A_103 = arith.cmpi eq, %eq3A_101, %eq3A_102 : vector<1024x102xi32>
    %convert_element_type3A_104 = arith.extui %eq3A_103 : vector<1024x102xi1> to vector<1024x102xi32>
    %convert_element_type3A_105 = arith.sitofp %convert_element_type3A_104 : vector<1024x102xi32> to vector<1024x102xf32>
    %get3A_106 = arith.constant 0 : index
    %get3A_107 = arith.constant 0 : index
    %get3A_108 = vector.load %arg16[%get3A_106, %get3A_107] : memref<102x32xf32, #tpu.memory_space<vmem>>, vector<102x32xf32>
    %dot_general3A_109 = arith.constant dense<0.000000e+00> : vector<1024x32xf32>
    %dot_general3A_110 = tpu.matmul %convert_element_type3A_105, %get3A_108, %dot_general3A_109 {dimension_numbers = #tpu.dot_dimension_numbers<[1], [0], [0], [1], [0, 0, 1, 1], [], []>, transpose_lhs_hint = false} : vector<1024x102xf32>, vector<102x32xf32>, vector<1024x32xf32> -> vector<1024x32xf32>
    %iota3A_111 = tpu.iota {dimensions = array<i32: 1>} : vector<1x22xi32>
    %get3A_112 = arith.constant 0 : index
    %get3A_113 = arith.constant 8 : index
    %get3A_114 = vector.load %arg0[%get3A_112, %get3A_113] : memref<1024x12xi32, #tpu.memory_space<vmem>>, vector<1024x1xi32>
    %eq3A_115 = vector.broadcast %get3A_114 : vector<1024x1xi32> to vector<1024x22xi32>
    %eq3A_116 = vector.broadcast %iota3A_111 : vector<1x22xi32> to vector<1024x22xi32>
    %eq3A_117 = arith.cmpi eq, %eq3A_115, %eq3A_116 : vector<1024x22xi32>
    %convert_element_type3A_118 = arith.extui %eq3A_117 : vector<1024x22xi1> to vector<1024x22xi32>
    %convert_element_type3A_119 = arith.sitofp %convert_element_type3A_118 : vector<1024x22xi32> to vector<1024x22xf32>
    %get3A_120 = arith.constant 0 : index
    %get3A_121 = arith.constant 0 : index
    %get3A_122 = vector.load %arg17[%get3A_120, %get3A_121] : memref<22x32xf32, #tpu.memory_space<vmem>>, vector<22x32xf32>
    %dot_general3A_123 = arith.constant dense<0.000000e+00> : vector<1024x32xf32>
    %dot_general3A_124 = tpu.matmul %convert_element_type3A_119, %get3A_122, %dot_general3A_123 {dimension_numbers = #tpu.dot_dimension_numbers<[1], [0], [0], [1], [0, 0, 1, 1], [], []>, transpose_lhs_hint = false} : vector<1024x22xf32>, vector<22x32xf32>, vector<1024x32xf32> -> vector<1024x32xf32>
    %iota3A_125 = tpu.iota {dimensions = array<i32: 1>} : vector<1x9xi32>
    %get3A_126 = arith.constant 0 : index
    %get3A_127 = arith.constant 9 : index
    %get3A_128 = vector.load %arg0[%get3A_126, %get3A_127] : memref<1024x12xi32, #tpu.memory_space<vmem>>, vector<1024x1xi32>
    %eq3A_129 = vector.broadcast %get3A_128 : vector<1024x1xi32> to vector<1024x9xi32>
    %eq3A_130 = vector.broadcast %iota3A_125 : vector<1x9xi32> to vector<1024x9xi32>
    %eq3A_131 = arith.cmpi eq, %eq3A_129, %eq3A_130 : vector<1024x9xi32>
    %convert_element_type3A_132 = arith.extui %eq3A_131 : vector<1024x9xi1> to vector<1024x9xi32>
    %convert_element_type3A_133 = arith.sitofp %convert_element_type3A_132 : vector<1024x9xi32> to vector<1024x9xf32>
    %get3A_134 = arith.constant 0 : index
    %get3A_135 = arith.constant 0 : index
    %get3A_136 = vector.load %arg9[%get3A_134, %get3A_135] : memref<9x32xf32, #tpu.memory_space<vmem>>, vector<9x32xf32>
    %dot_general3A_137 = arith.constant dense<0.000000e+00> : vector<1024x32xf32>
    %dot_general3A_138 = tpu.matmul %convert_element_type3A_133, %get3A_136, %dot_general3A_137 {dimension_numbers = #tpu.dot_dimension_numbers<[1], [0], [0], [1], [0, 0, 1, 1], [], []>, transpose_lhs_hint = false} : vector<1024x9xf32>, vector<9x32xf32>, vector<1024x32xf32> -> vector<1024x32xf32>
    %iota3A_139 = tpu.iota {dimensions = array<i32: 1>} : vector<1x26xi32>
    %get3A_140 = arith.constant 0 : index
    %get3A_141 = arith.constant 10 : index
    %get3A_142 = vector.load %arg0[%get3A_140, %get3A_141] : memref<1024x12xi32, #tpu.memory_space<vmem>>, vector<1024x1xi32>
    %eq3A_143 = vector.broadcast %get3A_142 : vector<1024x1xi32> to vector<1024x26xi32>
    %eq3A_144 = vector.broadcast %iota3A_139 : vector<1x26xi32> to vector<1024x26xi32>
    %eq3A_145 = arith.cmpi eq, %eq3A_143, %eq3A_144 : vector<1024x26xi32>
    %convert_element_type3A_146 = arith.extui %eq3A_145 : vector<1024x26xi1> to vector<1024x26xi32>
    %convert_element_type3A_147 = arith.sitofp %convert_element_type3A_146 : vector<1024x26xi32> to vector<1024x26xf32>
    %get3A_148 = arith.constant 0 : index
    %get3A_149 = arith.constant 0 : index
    %get3A_150 = vector.load %arg10[%get3A_148, %get3A_149] : memref<26x32xf32, #tpu.memory_space<vmem>>, vector<26x32xf32>
    %dot_general3A_151 = arith.constant dense<0.000000e+00> : vector<1024x32xf32>
    %dot_general3A_152 = tpu.matmul %convert_element_type3A_147, %get3A_150, %dot_general3A_151 {dimension_numbers = #tpu.dot_dimension_numbers<[1], [0], [0], [1], [0, 0, 1, 1], [], []>, transpose_lhs_hint = false} : vector<1024x26xf32>, vector<26x32xf32>, vector<1024x32xf32> -> vector<1024x32xf32>
    %iota3A_153 = tpu.iota {dimensions = array<i32: 1>} : vector<1x62xi32>
    %get3A_154 = arith.constant 0 : index
    %get3A_155 = arith.constant 11 : index
    %get3A_156 = vector.load %arg0[%get3A_154, %get3A_155] : memref<1024x12xi32, #tpu.memory_space<vmem>>, vector<1024x1xi32>
    %eq3A_157 = vector.broadcast %get3A_156 : vector<1024x1xi32> to vector<1024x62xi32>
    %eq3A_158 = vector.broadcast %iota3A_153 : vector<1x62xi32> to vector<1024x62xi32>
    %eq3A_159 = arith.cmpi eq, %eq3A_157, %eq3A_158 : vector<1024x62xi32>
    %convert_element_type3A_160 = arith.extui %eq3A_159 : vector<1024x62xi1> to vector<1024x62xi32>
    %convert_element_type3A_161 = arith.sitofp %convert_element_type3A_160 : vector<1024x62xi32> to vector<1024x62xf32>
    %get3A_162 = arith.constant 0 : index
    %get3A_163 = arith.constant 0 : index
    %get3A_164 = vector.load %arg11[%get3A_162, %get3A_163] : memref<62x32xf32, #tpu.memory_space<vmem>>, vector<62x32xf32>
    %dot_general3A_165 = arith.constant dense<0.000000e+00> : vector<1024x32xf32>
    %dot_general3A_166 = tpu.matmul %convert_element_type3A_161, %get3A_164, %dot_general3A_165 {dimension_numbers = #tpu.dot_dimension_numbers<[1], [0], [0], [1], [0, 0, 1, 1], [], []>, transpose_lhs_hint = false} : vector<1024x62xf32>, vector<62x32xf32>, vector<1024x32xf32> -> vector<1024x32xf32>
    %dma_wait3A = arith.constant 0 : i32
    %dma_wait3A_167 = arith.constant 0 : i32
    %dma_wait3A_168 = arith.constant 0 : i32
    %dma_wait3A_169 = tpu.memref_slice %arg31[%dma_wait3A, %dma_wait3A_167, %dma_wait3A_168] : memref<4x1024x128xf32, #tpu.memory_space<vmem>> -> memref<1x1024x128xf32, #tpu.memory_space<vmem>>
    %dma_wait3A_170 = tpu.memref_squeeze %dma_wait3A_169 : memref<1x1024x128xf32, #tpu.memory_space<vmem>> -> memref<1024x128xf32, #tpu.memory_space<vmem>>
    %dma_wait3A_171 = arith.constant 0 : i32
    %dma_wait3A_172 = arith.constant 0 : i32
    %dma_wait3A_173 = tpu.memref_slice %arg5[%dma_wait3A_171, %dma_wait3A_172] : memref<250000x128xf32, #tpu.memory_space<any>> -> memref<1024x128xf32, #tpu.memory_space<any>>
    tpu.wait_dma2 semaphore(%arg32 : memref<!tpu.dma_semaphore, #tpu.memory_space<semaphore_mem>>) src(%dma_wait3A_173 : memref<1024x128xf32, #tpu.memory_space<any>>) dst(%dma_wait3A_170 : memref<1024x128xf32, #tpu.memory_space<vmem>>)
    %dma_wait3A_174 = arith.constant 1 : i32
    %dma_wait3A_175 = arith.constant 0 : i32
    %dma_wait3A_176 = arith.constant 0 : i32
    %dma_wait3A_177 = tpu.memref_slice %arg31[%dma_wait3A_174, %dma_wait3A_175, %dma_wait3A_176] : memref<4x1024x128xf32, #tpu.memory_space<vmem>> -> memref<1x1024x128xf32, #tpu.memory_space<vmem>>
    %dma_wait3A_178 = tpu.memref_squeeze %dma_wait3A_177 : memref<1x1024x128xf32, #tpu.memory_space<vmem>> -> memref<1024x128xf32, #tpu.memory_space<vmem>>
    %dma_wait3A_179 = arith.constant 0 : i32
    %dma_wait3A_180 = arith.constant 0 : i32
    %dma_wait3A_181 = tpu.memref_slice %arg6[%dma_wait3A_179, %dma_wait3A_180] : memref<25000x128xf32, #tpu.memory_space<any>> -> memref<1024x128xf32, #tpu.memory_space<any>>
    tpu.wait_dma2 semaphore(%arg32 : memref<!tpu.dma_semaphore, #tpu.memory_space<semaphore_mem>>) src(%dma_wait3A_181 : memref<1024x128xf32, #tpu.memory_space<any>>) dst(%dma_wait3A_178 : memref<1024x128xf32, #tpu.memory_space<vmem>>)
    %dma_wait3A_182 = arith.constant 2 : i32
    %dma_wait3A_183 = arith.constant 0 : i32
    %dma_wait3A_184 = arith.constant 0 : i32
    %dma_wait3A_185 = tpu.memref_slice %arg31[%dma_wait3A_182, %dma_wait3A_183, %dma_wait3A_184] : memref<4x1024x128xf32, #tpu.memory_space<vmem>> -> memref<1x1024x128xf32, #tpu.memory_space<vmem>>
    %dma_wait3A_186 = tpu.memref_squeeze %dma_wait3A_185 : memref<1x1024x128xf32, #tpu.memory_space<vmem>> -> memref<1024x128xf32, #tpu.memory_space<vmem>>
    %dma_wait3A_187 = arith.constant 0 : i32
    %dma_wait3A_188 = arith.constant 0 : i32
    %dma_wait3A_189 = tpu.memref_slice %arg7[%dma_wait3A_187, %dma_wait3A_188] : memref<250000x128xf32, #tpu.memory_space<any>> -> memref<1024x128xf32, #tpu.memory_space<any>>
    tpu.wait_dma2 semaphore(%arg32 : memref<!tpu.dma_semaphore, #tpu.memory_space<semaphore_mem>>) src(%dma_wait3A_189 : memref<1024x128xf32, #tpu.memory_space<any>>) dst(%dma_wait3A_186 : memref<1024x128xf32, #tpu.memory_space<vmem>>)
    %dma_wait3A_190 = arith.constant 3 : i32
    %dma_wait3A_191 = arith.constant 0 : i32
    %dma_wait3A_192 = arith.constant 0 : i32
    %dma_wait3A_193 = tpu.memref_slice %arg31[%dma_wait3A_190, %dma_wait3A_191, %dma_wait3A_192] : memref<4x1024x128xf32, #tpu.memory_space<vmem>> -> memref<1x1024x128xf32, #tpu.memory_space<vmem>>
    %dma_wait3A_194 = tpu.memref_squeeze %dma_wait3A_193 : memref<1x1024x128xf32, #tpu.memory_space<vmem>> -> memref<1024x128xf32, #tpu.memory_space<vmem>>
    %dma_wait3A_195 = arith.constant 0 : i32
    %dma_wait3A_196 = arith.constant 0 : i32
    %dma_wait3A_197 = tpu.memref_slice %arg8[%dma_wait3A_195, %dma_wait3A_196] : memref<25000x128xf32, #tpu.memory_space<any>> -> memref<1024x128xf32, #tpu.memory_space<any>>
    tpu.wait_dma2 semaphore(%arg32 : memref<!tpu.dma_semaphore, #tpu.memory_space<semaphore_mem>>) src(%dma_wait3A_197 : memref<1024x128xf32, #tpu.memory_space<any>>) dst(%dma_wait3A_194 : memref<1024x128xf32, #tpu.memory_space<vmem>>)
    %get3A_198 = arith.constant 0 : index
    %get3A_199 = arith.constant 0 : index
    %get3A_200 = arith.constant 0 : index
    %get3A_201 = vector.load %arg31[%get3A_198, %get3A_199, %get3A_200] : memref<4x1024x128xf32, #tpu.memory_space<vmem>>, vector<1x1024x128xf32>
    %get3A_202 = vector.shape_cast %get3A_201 : vector<1x1024x128xf32> to vector<1024x128xf32>
    %get3A_203 = arith.constant 0 : index
    %get3A_204 = arith.constant 0 : index
    %get3A_205 = vector.load %arg2[%get3A_203, %get3A_204] : memref<1024x4xi32, #tpu.memory_space<vmem>>, vector<1024x1xi32>
    %jit3A = arith.constant 4 : i32
    %eq3A_206 = arith.constant 0 : i32
    %eq3A_207 = arith.cmpi eq, %jit3A, %eq3A_206 : i32
    %jit3A_208 = arith.constant 1 : i32
    %select_n3A = arith.select %eq3A_207, %jit3A_208, %jit3A : i32
    %rem3A = vector.broadcast %select_n3A : i32 to vector<1024x1xi32>
    %rem3A_209 = arith.remsi %get3A_205, %rem3A : vector<1024x1xi32>
    %ne3A = arith.constant 0 : i32
    %ne3A_210 = vector.broadcast %ne3A : i32 to vector<1024x1xi32>
    %ne3A_211 = arith.cmpi ne, %rem3A_209, %ne3A_210 : vector<1024x1xi32>
    %lt3A = arith.constant 0 : i32
    %lt3A_212 = vector.broadcast %lt3A : i32 to vector<1024x1xi32>
    %lt3A_213 = arith.cmpi slt, %rem3A_209, %lt3A_212 : vector<1024x1xi32>
    %lt3A_214 = arith.constant 0 : i32
    %lt3A_215 = arith.cmpi slt, %select_n3A, %lt3A_214 : i32
    %ne3A_216 = vector.broadcast %lt3A_215 : i1 to vector<1024x1xi1>
    %ne3A_217 = vector.broadcast %ne3A_216 : vector<1024x1xi1> to vector<1024x1xi1>
    %ne3A_218 = arith.xori %lt3A_213, %ne3A_217 : vector<1024x1xi1>
    %and3A = arith.andi %ne3A_218, %ne3A_211 : vector<1024x1xi1>
    %add3A = vector.broadcast %select_n3A : i32 to vector<1024x1xi32>
    %add3A_219 = arith.addi %rem3A_209, %add3A : vector<1024x1xi32>
    %select_n3A_220 = arith.select %and3A, %add3A_219, %rem3A_209 : vector<1024x1xi1>, vector<1024x1xi32>
    %eq3A_221 = arith.constant 0 : i32
    %eq3A_222 = vector.broadcast %eq3A_221 : i32 to vector<1024x1xi32>
    %eq3A_223 = arith.cmpi eq, %select_n3A_220, %eq3A_222 : vector<1024x1xi32>
    %slice3A = vector.extract_strided_slice %get3A_202 {offsets = [0, 0], sizes = [1024, 32], strides = [1, 1]} : vector<1024x128xf32> to vector<1024x32xf32>
    %jit3A_224 = arith.constant 0.000000e+00 : f32
    %broadcast_in_dim3A = vector.shape_cast %eq3A_223 : vector<1024x1xi1> to vector<1024x1xi1>
    %broadcast_in_dim3A_225 = vector.broadcast %broadcast_in_dim3A : vector<1024x1xi1> to vector<1024x32xi1>
    %broadcast_in_dim3A_226 = vector.broadcast %jit3A_224 : f32 to vector<1024x32xf32>
    %select_n3A_227 = arith.select %broadcast_in_dim3A_225, %slice3A, %broadcast_in_dim3A_226 : vector<1024x32xi1>, vector<1024x32xf32>
    %eq3A_228 = arith.constant 1 : i32
    %eq3A_229 = vector.broadcast %eq3A_228 : i32 to vector<1024x1xi32>
    %eq3A_230 = arith.cmpi eq, %select_n3A_220, %eq3A_229 : vector<1024x1xi32>
    %slice3A_231 = vector.extract_strided_slice %get3A_202 {offsets = [0, 32], sizes = [1024, 32], strides = [1, 1]} : vector<1024x128xf32> to vector<1024x32xf32>
    %jit3A_232 = arith.constant 0.000000e+00 : f32
    %broadcast_in_dim3A_233 = vector.shape_cast %eq3A_230 : vector<1024x1xi1> to vector<1024x1xi1>
    %broadcast_in_dim3A_234 = vector.broadcast %broadcast_in_dim3A_233 : vector<1024x1xi1> to vector<1024x32xi1>
    %broadcast_in_dim3A_235 = vector.broadcast %jit3A_232 : f32 to vector<1024x32xf32>
    %select_n3A_236 = arith.select %broadcast_in_dim3A_234, %slice3A_231, %broadcast_in_dim3A_235 : vector<1024x32xi1>, vector<1024x32xf32>
    %add3A_237 = arith.addf %select_n3A_227, %select_n3A_236 : vector<1024x32xf32>
    %eq3A_238 = arith.constant 2 : i32
    %eq3A_239 = vector.broadcast %eq3A_238 : i32 to vector<1024x1xi32>
    %eq3A_240 = arith.cmpi eq, %select_n3A_220, %eq3A_239 : vector<1024x1xi32>
    %slice3A_241 = vector.extract_strided_slice %get3A_202 {offsets = [0, 64], sizes = [1024, 32], strides = [1, 1]} : vector<1024x128xf32> to vector<1024x32xf32>
    %jit3A_242 = arith.constant 0.000000e+00 : f32
    %broadcast_in_dim3A_243 = vector.shape_cast %eq3A_240 : vector<1024x1xi1> to vector<1024x1xi1>
    %broadcast_in_dim3A_244 = vector.broadcast %broadcast_in_dim3A_243 : vector<1024x1xi1> to vector<1024x32xi1>
    %broadcast_in_dim3A_245 = vector.broadcast %jit3A_242 : f32 to vector<1024x32xf32>
    %select_n3A_246 = arith.select %broadcast_in_dim3A_244, %slice3A_241, %broadcast_in_dim3A_245 : vector<1024x32xi1>, vector<1024x32xf32>
    %add3A_247 = arith.addf %add3A_237, %select_n3A_246 : vector<1024x32xf32>
    %eq3A_248 = arith.constant 3 : i32
    %eq3A_249 = vector.broadcast %eq3A_248 : i32 to vector<1024x1xi32>
    %eq3A_250 = arith.cmpi eq, %select_n3A_220, %eq3A_249 : vector<1024x1xi32>
    %slice3A_251 = vector.extract_strided_slice %get3A_202 {offsets = [0, 96], sizes = [1024, 32], strides = [1, 1]} : vector<1024x128xf32> to vector<1024x32xf32>
    %jit3A_252 = arith.constant 0.000000e+00 : f32
    %broadcast_in_dim3A_253 = vector.shape_cast %eq3A_250 : vector<1024x1xi1> to vector<1024x1xi1>
    %broadcast_in_dim3A_254 = vector.broadcast %broadcast_in_dim3A_253 : vector<1024x1xi1> to vector<1024x32xi1>
    %broadcast_in_dim3A_255 = vector.broadcast %jit3A_252 : f32 to vector<1024x32xf32>
    %select_n3A_256 = arith.select %broadcast_in_dim3A_254, %slice3A_251, %broadcast_in_dim3A_255 : vector<1024x32xi1>, vector<1024x32xf32>
    %add3A_257 = arith.addf %add3A_247, %select_n3A_256 : vector<1024x32xf32>
    %get3A_258 = arith.constant 1 : index
    %get3A_259 = arith.constant 0 : index
    %get3A_260 = arith.constant 0 : index
    %get3A_261 = vector.load %arg31[%get3A_258, %get3A_259, %get3A_260] : memref<4x1024x128xf32, #tpu.memory_space<vmem>>, vector<1x1024x128xf32>
    %get3A_262 = vector.shape_cast %get3A_261 : vector<1x1024x128xf32> to vector<1024x128xf32>
    %get3A_263 = arith.constant 0 : index
    %get3A_264 = arith.constant 1 : index
    %get3A_265 = vector.load %arg2[%get3A_263, %get3A_264] : memref<1024x4xi32, #tpu.memory_space<vmem>>, vector<1024x1xi32>
    %jit3A_266 = arith.constant 4 : i32
    %eq3A_267 = arith.constant 0 : i32
    %eq3A_268 = arith.cmpi eq, %jit3A_266, %eq3A_267 : i32
    %jit3A_269 = arith.constant 1 : i32
    %select_n3A_270 = arith.select %eq3A_268, %jit3A_269, %jit3A_266 : i32
    %rem3A_271 = vector.broadcast %select_n3A_270 : i32 to vector<1024x1xi32>
    %rem3A_272 = arith.remsi %get3A_265, %rem3A_271 : vector<1024x1xi32>
    %ne3A_273 = arith.constant 0 : i32
    %ne3A_274 = vector.broadcast %ne3A_273 : i32 to vector<1024x1xi32>
    %ne3A_275 = arith.cmpi ne, %rem3A_272, %ne3A_274 : vector<1024x1xi32>
    %lt3A_276 = arith.constant 0 : i32
    %lt3A_277 = vector.broadcast %lt3A_276 : i32 to vector<1024x1xi32>
    %lt3A_278 = arith.cmpi slt, %rem3A_272, %lt3A_277 : vector<1024x1xi32>
    %lt3A_279 = arith.constant 0 : i32
    %lt3A_280 = arith.cmpi slt, %select_n3A_270, %lt3A_279 : i32
    %ne3A_281 = vector.broadcast %lt3A_280 : i1 to vector<1024x1xi1>
    %ne3A_282 = vector.broadcast %ne3A_281 : vector<1024x1xi1> to vector<1024x1xi1>
    %ne3A_283 = arith.xori %lt3A_278, %ne3A_282 : vector<1024x1xi1>
    %and3A_284 = arith.andi %ne3A_283, %ne3A_275 : vector<1024x1xi1>
    %add3A_285 = vector.broadcast %select_n3A_270 : i32 to vector<1024x1xi32>
    %add3A_286 = arith.addi %rem3A_272, %add3A_285 : vector<1024x1xi32>
    %select_n3A_287 = arith.select %and3A_284, %add3A_286, %rem3A_272 : vector<1024x1xi1>, vector<1024x1xi32>
    %eq3A_288 = arith.constant 0 : i32
    %eq3A_289 = vector.broadcast %eq3A_288 : i32 to vector<1024x1xi32>
    %eq3A_290 = arith.cmpi eq, %select_n3A_287, %eq3A_289 : vector<1024x1xi32>
    %slice3A_291 = vector.extract_strided_slice %get3A_262 {offsets = [0, 0], sizes = [1024, 32], strides = [1, 1]} : vector<1024x128xf32> to vector<1024x32xf32>
    %jit3A_292 = arith.constant 0.000000e+00 : f32
    %broadcast_in_dim3A_293 = vector.shape_cast %eq3A_290 : vector<1024x1xi1> to vector<1024x1xi1>
    %broadcast_in_dim3A_294 = vector.broadcast %broadcast_in_dim3A_293 : vector<1024x1xi1> to vector<1024x32xi1>
    %broadcast_in_dim3A_295 = vector.broadcast %jit3A_292 : f32 to vector<1024x32xf32>
    %select_n3A_296 = arith.select %broadcast_in_dim3A_294, %slice3A_291, %broadcast_in_dim3A_295 : vector<1024x32xi1>, vector<1024x32xf32>
    %eq3A_297 = arith.constant 1 : i32
    %eq3A_298 = vector.broadcast %eq3A_297 : i32 to vector<1024x1xi32>
    %eq3A_299 = arith.cmpi eq, %select_n3A_287, %eq3A_298 : vector<1024x1xi32>
    %slice3A_300 = vector.extract_strided_slice %get3A_262 {offsets = [0, 32], sizes = [1024, 32], strides = [1, 1]} : vector<1024x128xf32> to vector<1024x32xf32>
    %jit3A_301 = arith.constant 0.000000e+00 : f32
    %broadcast_in_dim3A_302 = vector.shape_cast %eq3A_299 : vector<1024x1xi1> to vector<1024x1xi1>
    %broadcast_in_dim3A_303 = vector.broadcast %broadcast_in_dim3A_302 : vector<1024x1xi1> to vector<1024x32xi1>
    %broadcast_in_dim3A_304 = vector.broadcast %jit3A_301 : f32 to vector<1024x32xf32>
    %select_n3A_305 = arith.select %broadcast_in_dim3A_303, %slice3A_300, %broadcast_in_dim3A_304 : vector<1024x32xi1>, vector<1024x32xf32>
    %add3A_306 = arith.addf %select_n3A_296, %select_n3A_305 : vector<1024x32xf32>
    %eq3A_307 = arith.constant 2 : i32
    %eq3A_308 = vector.broadcast %eq3A_307 : i32 to vector<1024x1xi32>
    %eq3A_309 = arith.cmpi eq, %select_n3A_287, %eq3A_308 : vector<1024x1xi32>
    %slice3A_310 = vector.extract_strided_slice %get3A_262 {offsets = [0, 64], sizes = [1024, 32], strides = [1, 1]} : vector<1024x128xf32> to vector<1024x32xf32>
    %jit3A_311 = arith.constant 0.000000e+00 : f32
    %broadcast_in_dim3A_312 = vector.shape_cast %eq3A_309 : vector<1024x1xi1> to vector<1024x1xi1>
    %broadcast_in_dim3A_313 = vector.broadcast %broadcast_in_dim3A_312 : vector<1024x1xi1> to vector<1024x32xi1>
    %broadcast_in_dim3A_314 = vector.broadcast %jit3A_311 : f32 to vector<1024x32xf32>
    %select_n3A_315 = arith.select %broadcast_in_dim3A_313, %slice3A_310, %broadcast_in_dim3A_314 : vector<1024x32xi1>, vector<1024x32xf32>
    %add3A_316 = arith.addf %add3A_306, %select_n3A_315 : vector<1024x32xf32>
    %eq3A_317 = arith.constant 3 : i32
    %eq3A_318 = vector.broadcast %eq3A_317 : i32 to vector<1024x1xi32>
    %eq3A_319 = arith.cmpi eq, %select_n3A_287, %eq3A_318 : vector<1024x1xi32>
    %slice3A_320 = vector.extract_strided_slice %get3A_262 {offsets = [0, 96], sizes = [1024, 32], strides = [1, 1]} : vector<1024x128xf32> to vector<1024x32xf32>
    %jit3A_321 = arith.constant 0.000000e+00 : f32
    %broadcast_in_dim3A_322 = vector.shape_cast %eq3A_319 : vector<1024x1xi1> to vector<1024x1xi1>
    %broadcast_in_dim3A_323 = vector.broadcast %broadcast_in_dim3A_322 : vector<1024x1xi1> to vector<1024x32xi1>
    %broadcast_in_dim3A_324 = vector.broadcast %jit3A_321 : f32 to vector<1024x32xf32>
    %select_n3A_325 = arith.select %broadcast_in_dim3A_323, %slice3A_320, %broadcast_in_dim3A_324 : vector<1024x32xi1>, vector<1024x32xf32>
    %add3A_326 = arith.addf %add3A_316, %select_n3A_325 : vector<1024x32xf32>
    %get3A_327 = arith.constant 2 : index
    %get3A_328 = arith.constant 0 : index
    %get3A_329 = arith.constant 0 : index
    %get3A_330 = vector.load %arg31[%get3A_327, %get3A_328, %get3A_329] : memref<4x1024x128xf32, #tpu.memory_space<vmem>>, vector<1x1024x128xf32>
    %get3A_331 = vector.shape_cast %get3A_330 : vector<1x1024x128xf32> to vector<1024x128xf32>
    %get3A_332 = arith.constant 0 : index
    %get3A_333 = arith.constant 2 : index
    %get3A_334 = vector.load %arg2[%get3A_332, %get3A_333] : memref<1024x4xi32, #tpu.memory_space<vmem>>, vector<1024x1xi32>
    %jit3A_335 = arith.constant 4 : i32
    %eq3A_336 = arith.constant 0 : i32
    %eq3A_337 = arith.cmpi eq, %jit3A_335, %eq3A_336 : i32
    %jit3A_338 = arith.constant 1 : i32
    %select_n3A_339 = arith.select %eq3A_337, %jit3A_338, %jit3A_335 : i32
    %rem3A_340 = vector.broadcast %select_n3A_339 : i32 to vector<1024x1xi32>
    %rem3A_341 = arith.remsi %get3A_334, %rem3A_340 : vector<1024x1xi32>
    %ne3A_342 = arith.constant 0 : i32
    %ne3A_343 = vector.broadcast %ne3A_342 : i32 to vector<1024x1xi32>
    %ne3A_344 = arith.cmpi ne, %rem3A_341, %ne3A_343 : vector<1024x1xi32>
    %lt3A_345 = arith.constant 0 : i32
    %lt3A_346 = vector.broadcast %lt3A_345 : i32 to vector<1024x1xi32>
    %lt3A_347 = arith.cmpi slt, %rem3A_341, %lt3A_346 : vector<1024x1xi32>
    %lt3A_348 = arith.constant 0 : i32
    %lt3A_349 = arith.cmpi slt, %select_n3A_339, %lt3A_348 : i32
    %ne3A_350 = vector.broadcast %lt3A_349 : i1 to vector<1024x1xi1>
    %ne3A_351 = vector.broadcast %ne3A_350 : vector<1024x1xi1> to vector<1024x1xi1>
    %ne3A_352 = arith.xori %lt3A_347, %ne3A_351 : vector<1024x1xi1>
    %and3A_353 = arith.andi %ne3A_352, %ne3A_344 : vector<1024x1xi1>
    %add3A_354 = vector.broadcast %select_n3A_339 : i32 to vector<1024x1xi32>
    %add3A_355 = arith.addi %rem3A_341, %add3A_354 : vector<1024x1xi32>
    %select_n3A_356 = arith.select %and3A_353, %add3A_355, %rem3A_341 : vector<1024x1xi1>, vector<1024x1xi32>
    %eq3A_357 = arith.constant 0 : i32
    %eq3A_358 = vector.broadcast %eq3A_357 : i32 to vector<1024x1xi32>
    %eq3A_359 = arith.cmpi eq, %select_n3A_356, %eq3A_358 : vector<1024x1xi32>
    %slice3A_360 = vector.extract_strided_slice %get3A_331 {offsets = [0, 0], sizes = [1024, 32], strides = [1, 1]} : vector<1024x128xf32> to vector<1024x32xf32>
    %jit3A_361 = arith.constant 0.000000e+00 : f32
    %broadcast_in_dim3A_362 = vector.shape_cast %eq3A_359 : vector<1024x1xi1> to vector<1024x1xi1>
    %broadcast_in_dim3A_363 = vector.broadcast %broadcast_in_dim3A_362 : vector<1024x1xi1> to vector<1024x32xi1>
    %broadcast_in_dim3A_364 = vector.broadcast %jit3A_361 : f32 to vector<1024x32xf32>
    %select_n3A_365 = arith.select %broadcast_in_dim3A_363, %slice3A_360, %broadcast_in_dim3A_364 : vector<1024x32xi1>, vector<1024x32xf32>
    %eq3A_366 = arith.constant 1 : i32
    %eq3A_367 = vector.broadcast %eq3A_366 : i32 to vector<1024x1xi32>
    %eq3A_368 = arith.cmpi eq, %select_n3A_356, %eq3A_367 : vector<1024x1xi32>
    %slice3A_369 = vector.extract_strided_slice %get3A_331 {offsets = [0, 32], sizes = [1024, 32], strides = [1, 1]} : vector<1024x128xf32> to vector<1024x32xf32>
    %jit3A_370 = arith.constant 0.000000e+00 : f32
    %broadcast_in_dim3A_371 = vector.shape_cast %eq3A_368 : vector<1024x1xi1> to vector<1024x1xi1>
    %broadcast_in_dim3A_372 = vector.broadcast %broadcast_in_dim3A_371 : vector<1024x1xi1> to vector<1024x32xi1>
    %broadcast_in_dim3A_373 = vector.broadcast %jit3A_370 : f32 to vector<1024x32xf32>
    %select_n3A_374 = arith.select %broadcast_in_dim3A_372, %slice3A_369, %broadcast_in_dim3A_373 : vector<1024x32xi1>, vector<1024x32xf32>
    %add3A_375 = arith.addf %select_n3A_365, %select_n3A_374 : vector<1024x32xf32>
    %eq3A_376 = arith.constant 2 : i32
    %eq3A_377 = vector.broadcast %eq3A_376 : i32 to vector<1024x1xi32>
    %eq3A_378 = arith.cmpi eq, %select_n3A_356, %eq3A_377 : vector<1024x1xi32>
    %slice3A_379 = vector.extract_strided_slice %get3A_331 {offsets = [0, 64], sizes = [1024, 32], strides = [1, 1]} : vector<1024x128xf32> to vector<1024x32xf32>
    %jit3A_380 = arith.constant 0.000000e+00 : f32
    %broadcast_in_dim3A_381 = vector.shape_cast %eq3A_378 : vector<1024x1xi1> to vector<1024x1xi1>
    %broadcast_in_dim3A_382 = vector.broadcast %broadcast_in_dim3A_381 : vector<1024x1xi1> to vector<1024x32xi1>
    %broadcast_in_dim3A_383 = vector.broadcast %jit3A_380 : f32 to vector<1024x32xf32>
    %select_n3A_384 = arith.select %broadcast_in_dim3A_382, %slice3A_379, %broadcast_in_dim3A_383 : vector<1024x32xi1>, vector<1024x32xf32>
    %add3A_385 = arith.addf %add3A_375, %select_n3A_384 : vector<1024x32xf32>
    %eq3A_386 = arith.constant 3 : i32
    %eq3A_387 = vector.broadcast %eq3A_386 : i32 to vector<1024x1xi32>
    %eq3A_388 = arith.cmpi eq, %select_n3A_356, %eq3A_387 : vector<1024x1xi32>
    %slice3A_389 = vector.extract_strided_slice %get3A_331 {offsets = [0, 96], sizes = [1024, 32], strides = [1, 1]} : vector<1024x128xf32> to vector<1024x32xf32>
    %jit3A_390 = arith.constant 0.000000e+00 : f32
    %broadcast_in_dim3A_391 = vector.shape_cast %eq3A_388 : vector<1024x1xi1> to vector<1024x1xi1>
    %broadcast_in_dim3A_392 = vector.broadcast %broadcast_in_dim3A_391 : vector<1024x1xi1> to vector<1024x32xi1>
    %broadcast_in_dim3A_393 = vector.broadcast %jit3A_390 : f32 to vector<1024x32xf32>
    %select_n3A_394 = arith.select %broadcast_in_dim3A_392, %slice3A_389, %broadcast_in_dim3A_393 : vector<1024x32xi1>, vector<1024x32xf32>
    %add3A_395 = arith.addf %add3A_385, %select_n3A_394 : vector<1024x32xf32>
    %get3A_396 = arith.constant 3 : index
    %get3A_397 = arith.constant 0 : index
    %get3A_398 = arith.constant 0 : index
    %get3A_399 = vector.load %arg31[%get3A_396, %get3A_397, %get3A_398] : memref<4x1024x128xf32, #tpu.memory_space<vmem>>, vector<1x1024x128xf32>
    %get3A_400 = vector.shape_cast %get3A_399 : vector<1x1024x128xf32> to vector<1024x128xf32>
    %get3A_401 = arith.constant 0 : index
    %get3A_402 = arith.constant 3 : index
    %get3A_403 = vector.load %arg2[%get3A_401, %get3A_402] : memref<1024x4xi32, #tpu.memory_space<vmem>>, vector<1024x1xi32>
    %jit3A_404 = arith.constant 4 : i32
    %eq3A_405 = arith.constant 0 : i32
    %eq3A_406 = arith.cmpi eq, %jit3A_404, %eq3A_405 : i32
    %jit3A_407 = arith.constant 1 : i32
    %select_n3A_408 = arith.select %eq3A_406, %jit3A_407, %jit3A_404 : i32
    %rem3A_409 = vector.broadcast %select_n3A_408 : i32 to vector<1024x1xi32>
    %rem3A_410 = arith.remsi %get3A_403, %rem3A_409 : vector<1024x1xi32>
    %ne3A_411 = arith.constant 0 : i32
    %ne3A_412 = vector.broadcast %ne3A_411 : i32 to vector<1024x1xi32>
    %ne3A_413 = arith.cmpi ne, %rem3A_410, %ne3A_412 : vector<1024x1xi32>
    %lt3A_414 = arith.constant 0 : i32
    %lt3A_415 = vector.broadcast %lt3A_414 : i32 to vector<1024x1xi32>
    %lt3A_416 = arith.cmpi slt, %rem3A_410, %lt3A_415 : vector<1024x1xi32>
    %lt3A_417 = arith.constant 0 : i32
    %lt3A_418 = arith.cmpi slt, %select_n3A_408, %lt3A_417 : i32
    %ne3A_419 = vector.broadcast %lt3A_418 : i1 to vector<1024x1xi1>
    %ne3A_420 = vector.broadcast %ne3A_419 : vector<1024x1xi1> to vector<1024x1xi1>
    %ne3A_421 = arith.xori %lt3A_416, %ne3A_420 : vector<1024x1xi1>
    %and3A_422 = arith.andi %ne3A_421, %ne3A_413 : vector<1024x1xi1>
    %add3A_423 = vector.broadcast %select_n3A_408 : i32 to vector<1024x1xi32>
    %add3A_424 = arith.addi %rem3A_410, %add3A_423 : vector<1024x1xi32>
    %select_n3A_425 = arith.select %and3A_422, %add3A_424, %rem3A_410 : vector<1024x1xi1>, vector<1024x1xi32>
    %eq3A_426 = arith.constant 0 : i32
    %eq3A_427 = vector.broadcast %eq3A_426 : i32 to vector<1024x1xi32>
    %eq3A_428 = arith.cmpi eq, %select_n3A_425, %eq3A_427 : vector<1024x1xi32>
    %slice3A_429 = vector.extract_strided_slice %get3A_400 {offsets = [0, 0], sizes = [1024, 32], strides = [1, 1]} : vector<1024x128xf32> to vector<1024x32xf32>
    %jit3A_430 = arith.constant 0.000000e+00 : f32
    %broadcast_in_dim3A_431 = vector.shape_cast %eq3A_428 : vector<1024x1xi1> to vector<1024x1xi1>
    %broadcast_in_dim3A_432 = vector.broadcast %broadcast_in_dim3A_431 : vector<1024x1xi1> to vector<1024x32xi1>
    %broadcast_in_dim3A_433 = vector.broadcast %jit3A_430 : f32 to vector<1024x32xf32>
    %select_n3A_434 = arith.select %broadcast_in_dim3A_432, %slice3A_429, %broadcast_in_dim3A_433 : vector<1024x32xi1>, vector<1024x32xf32>
    %eq3A_435 = arith.constant 1 : i32
    %eq3A_436 = vector.broadcast %eq3A_435 : i32 to vector<1024x1xi32>
    %eq3A_437 = arith.cmpi eq, %select_n3A_425, %eq3A_436 : vector<1024x1xi32>
    %slice3A_438 = vector.extract_strided_slice %get3A_400 {offsets = [0, 32], sizes = [1024, 32], strides = [1, 1]} : vector<1024x128xf32> to vector<1024x32xf32>
    %jit3A_439 = arith.constant 0.000000e+00 : f32
    %broadcast_in_dim3A_440 = vector.shape_cast %eq3A_437 : vector<1024x1xi1> to vector<1024x1xi1>
    %broadcast_in_dim3A_441 = vector.broadcast %broadcast_in_dim3A_440 : vector<1024x1xi1> to vector<1024x32xi1>
    %broadcast_in_dim3A_442 = vector.broadcast %jit3A_439 : f32 to vector<1024x32xf32>
    %select_n3A_443 = arith.select %broadcast_in_dim3A_441, %slice3A_438, %broadcast_in_dim3A_442 : vector<1024x32xi1>, vector<1024x32xf32>
    %add3A_444 = arith.addf %select_n3A_434, %select_n3A_443 : vector<1024x32xf32>
    %eq3A_445 = arith.constant 2 : i32
    %eq3A_446 = vector.broadcast %eq3A_445 : i32 to vector<1024x1xi32>
    %eq3A_447 = arith.cmpi eq, %select_n3A_425, %eq3A_446 : vector<1024x1xi32>
    %slice3A_448 = vector.extract_strided_slice %get3A_400 {offsets = [0, 64], sizes = [1024, 32], strides = [1, 1]} : vector<1024x128xf32> to vector<1024x32xf32>
    %jit3A_449 = arith.constant 0.000000e+00 : f32
    %broadcast_in_dim3A_450 = vector.shape_cast %eq3A_447 : vector<1024x1xi1> to vector<1024x1xi1>
    %broadcast_in_dim3A_451 = vector.broadcast %broadcast_in_dim3A_450 : vector<1024x1xi1> to vector<1024x32xi1>
    %broadcast_in_dim3A_452 = vector.broadcast %jit3A_449 : f32 to vector<1024x32xf32>
    %select_n3A_453 = arith.select %broadcast_in_dim3A_451, %slice3A_448, %broadcast_in_dim3A_452 : vector<1024x32xi1>, vector<1024x32xf32>
    %add3A_454 = arith.addf %add3A_444, %select_n3A_453 : vector<1024x32xf32>
    %eq3A_455 = arith.constant 3 : i32
    %eq3A_456 = vector.broadcast %eq3A_455 : i32 to vector<1024x1xi32>
    %eq3A_457 = arith.cmpi eq, %select_n3A_425, %eq3A_456 : vector<1024x1xi32>
    %slice3A_458 = vector.extract_strided_slice %get3A_400 {offsets = [0, 96], sizes = [1024, 32], strides = [1, 1]} : vector<1024x128xf32> to vector<1024x32xf32>
    %jit3A_459 = arith.constant 0.000000e+00 : f32
    %broadcast_in_dim3A_460 = vector.shape_cast %eq3A_457 : vector<1024x1xi1> to vector<1024x1xi1>
    %broadcast_in_dim3A_461 = vector.broadcast %broadcast_in_dim3A_460 : vector<1024x1xi1> to vector<1024x32xi1>
    %broadcast_in_dim3A_462 = vector.broadcast %jit3A_459 : f32 to vector<1024x32xf32>
    %select_n3A_463 = arith.select %broadcast_in_dim3A_461, %slice3A_458, %broadcast_in_dim3A_462 : vector<1024x32xi1>, vector<1024x32xf32>
    %add3A_464 = arith.addf %add3A_454, %select_n3A_463 : vector<1024x32xf32>
    %concatenate3A = tpu.concatenate %dot_general3A_12, %dot_general3A_26, %dot_general3A_40, %add3A_257, %add3A_326, %dot_general3A_54, %dot_general3A_68, %dot_general3A_82 in 1 : vector<1024x32xf32>, vector<1024x32xf32>, vector<1024x32xf32>, vector<1024x32xf32>, vector<1024x32xf32>, vector<1024x32xf32>, vector<1024x32xf32>, vector<1024x32xf32> -> vector<1024x256xf32>
    %concatenate3A_465 = tpu.concatenate %add3A_395, %add3A_464, %dot_general3A_96, %dot_general3A_110, %dot_general3A_124, %dot_general3A_138, %dot_general3A_152, %dot_general3A_166 in 1 : vector<1024x32xf32>, vector<1024x32xf32>, vector<1024x32xf32>, vector<1024x32xf32>, vector<1024x32xf32>, vector<1024x32xf32>, vector<1024x32xf32>, vector<1024x32xf32> -> vector<1024x256xf32>
    %get3A_466 = arith.constant 0 : index
    %get3A_467 = arith.constant 0 : index
    %get3A_468 = vector.load %arg3[%get3A_466, %get3A_467] : memref<1024x160xf32, #tpu.memory_space<vmem>>, vector<1024x160xf32>
    %get3A_469 = arith.constant 0 : index
    %get3A_470 = arith.constant 0 : index
    %get3A_471 = vector.load %arg4[%get3A_469, %get3A_470] : memref<1024x160xf32, #tpu.memory_space<vmem>>, vector<1024x160xf32>
    %concatenate3A_472 = tpu.concatenate %concatenate3A, %get3A_468, %get3A_471 in 1 : vector<1024x256xf32>, vector<1024x160xf32>, vector<1024x160xf32> -> vector<1024x576xf32>
    %get3A_473 = arith.constant 0 : index
    %get3A_474 = arith.constant 0 : index
    %get3A_475 = vector.load %arg18[%get3A_473, %get3A_474] : memref<576x128xf32, #tpu.memory_space<vmem>>, vector<576x128xf32>
    %dot_general3A_476 = arith.constant dense<0.000000e+00> : vector<1024x128xf32>
    %dot_general3A_477 = tpu.matmul %concatenate3A_472, %get3A_475, %dot_general3A_476 {dimension_numbers = #tpu.dot_dimension_numbers<[1], [0], [0], [1], [0, 0, 1, 1], [], []>, transpose_lhs_hint = false} : vector<1024x576xf32>, vector<576x128xf32>, vector<1024x128xf32> -> vector<1024x128xf32>
    %get3A_478 = arith.constant 0 : index
    %get3A_479 = arith.constant 0 : index
    %get3A_480 = vector.load %arg19[%get3A_478, %get3A_479] : memref<1x128xf32, #tpu.memory_space<vmem>>, vector<1x128xf32>
    %add3A_481 = vector.broadcast %get3A_480 : vector<1x128xf32> to vector<1024x128xf32>
    %add3A_482 = arith.addf %dot_general3A_477, %add3A_481 : vector<1024x128xf32>
    %max3A = arith.constant 0.000000e+00 : f32
    %max3A_483 = vector.broadcast %max3A : f32 to vector<1024x128xf32>
    %max3A_484 = arith.maximumf %add3A_482, %max3A_483 : vector<1024x128xf32>
    %get3A_485 = arith.constant 0 : index
    %get3A_486 = arith.constant 0 : index
    %get3A_487 = vector.load %arg20[%get3A_485, %get3A_486] : memref<128x64xf32, #tpu.memory_space<vmem>>, vector<128x64xf32>
    %dot_general3A_488 = arith.constant dense<0.000000e+00> : vector<1024x64xf32>
    %dot_general3A_489 = tpu.matmul %max3A_484, %get3A_487, %dot_general3A_488 {dimension_numbers = #tpu.dot_dimension_numbers<[1], [0], [0], [1], [0, 0, 1, 1], [], []>, transpose_lhs_hint = false} : vector<1024x128xf32>, vector<128x64xf32>, vector<1024x64xf32> -> vector<1024x64xf32>
    %get3A_490 = arith.constant 0 : index
    %get3A_491 = arith.constant 0 : index
    %get3A_492 = vector.load %arg21[%get3A_490, %get3A_491] : memref<1x64xf32, #tpu.memory_space<vmem>>, vector<1x64xf32>
    %add3A_493 = vector.broadcast %get3A_492 : vector<1x64xf32> to vector<1024x64xf32>
    %add3A_494 = arith.addf %dot_general3A_489, %add3A_493 : vector<1024x64xf32>
    %max3A_495 = arith.constant 0.000000e+00 : f32
    %max3A_496 = vector.broadcast %max3A_495 : f32 to vector<1024x64xf32>
    %max3A_497 = arith.maximumf %add3A_494, %max3A_496 : vector<1024x64xf32>
    %get3A_498 = arith.constant 0 : index
    %get3A_499 = arith.constant 0 : index
    %get3A_500 = vector.load %arg22[%get3A_498, %get3A_499] : memref<64x32xf32, #tpu.memory_space<vmem>>, vector<64x32xf32>
    %dot_general3A_501 = arith.constant dense<0.000000e+00> : vector<1024x32xf32>
    %dot_general3A_502 = tpu.matmul %max3A_497, %get3A_500, %dot_general3A_501 {dimension_numbers = #tpu.dot_dimension_numbers<[1], [0], [0], [1], [0, 0, 1, 1], [], []>, transpose_lhs_hint = false} : vector<1024x64xf32>, vector<64x32xf32>, vector<1024x32xf32> -> vector<1024x32xf32>
    %get3A_503 = arith.constant 0 : index
    %get3A_504 = arith.constant 0 : index
    %get3A_505 = vector.load %arg23[%get3A_503, %get3A_504] : memref<1x32xf32, #tpu.memory_space<vmem>>, vector<1x32xf32>
    %add3A_506 = vector.broadcast %get3A_505 : vector<1x32xf32> to vector<1024x32xf32>
    %add3A_507 = arith.addf %dot_general3A_502, %add3A_506 : vector<1024x32xf32>
    %get3A_508 = arith.constant 0 : index
    %get3A_509 = arith.constant 0 : index
    %get3A_510 = vector.load %arg24[%get3A_508, %get3A_509] : memref<256x128xf32, #tpu.memory_space<vmem>>, vector<256x128xf32>
    %dot_general3A_511 = arith.constant dense<0.000000e+00> : vector<1024x128xf32>
    %dot_general3A_512 = tpu.matmul %concatenate3A_465, %get3A_510, %dot_general3A_511 {dimension_numbers = #tpu.dot_dimension_numbers<[1], [0], [0], [1], [0, 0, 1, 1], [], []>, transpose_lhs_hint = false} : vector<1024x256xf32>, vector<256x128xf32>, vector<1024x128xf32> -> vector<1024x128xf32>
    %get3A_513 = arith.constant 0 : index
    %get3A_514 = arith.constant 0 : index
    %get3A_515 = vector.load %arg25[%get3A_513, %get3A_514] : memref<1x128xf32, #tpu.memory_space<vmem>>, vector<1x128xf32>
    %add3A_516 = vector.broadcast %get3A_515 : vector<1x128xf32> to vector<1024x128xf32>
    %add3A_517 = arith.addf %dot_general3A_512, %add3A_516 : vector<1024x128xf32>
    %max3A_518 = arith.constant 0.000000e+00 : f32
    %max3A_519 = vector.broadcast %max3A_518 : f32 to vector<1024x128xf32>
    %max3A_520 = arith.maximumf %add3A_517, %max3A_519 : vector<1024x128xf32>
    %get3A_521 = arith.constant 0 : index
    %get3A_522 = arith.constant 0 : index
    %get3A_523 = vector.load %arg26[%get3A_521, %get3A_522] : memref<128x64xf32, #tpu.memory_space<vmem>>, vector<128x64xf32>
    %dot_general3A_524 = arith.constant dense<0.000000e+00> : vector<1024x64xf32>
    %dot_general3A_525 = tpu.matmul %max3A_520, %get3A_523, %dot_general3A_524 {dimension_numbers = #tpu.dot_dimension_numbers<[1], [0], [0], [1], [0, 0, 1, 1], [], []>, transpose_lhs_hint = false} : vector<1024x128xf32>, vector<128x64xf32>, vector<1024x64xf32> -> vector<1024x64xf32>
    %get3A_526 = arith.constant 0 : index
    %get3A_527 = arith.constant 0 : index
    %get3A_528 = vector.load %arg27[%get3A_526, %get3A_527] : memref<1x64xf32, #tpu.memory_space<vmem>>, vector<1x64xf32>
    %add3A_529 = vector.broadcast %get3A_528 : vector<1x64xf32> to vector<1024x64xf32>
    %add3A_530 = arith.addf %dot_general3A_525, %add3A_529 : vector<1024x64xf32>
    %max3A_531 = arith.constant 0.000000e+00 : f32
    %max3A_532 = vector.broadcast %max3A_531 : f32 to vector<1024x64xf32>
    %max3A_533 = arith.maximumf %add3A_530, %max3A_532 : vector<1024x64xf32>
    %get3A_534 = arith.constant 0 : index
    %get3A_535 = arith.constant 0 : index
    %get3A_536 = vector.load %arg28[%get3A_534, %get3A_535] : memref<64x32xf32, #tpu.memory_space<vmem>>, vector<64x32xf32>
    %dot_general3A_537 = arith.constant dense<0.000000e+00> : vector<1024x32xf32>
    %dot_general3A_538 = tpu.matmul %max3A_533, %get3A_536, %dot_general3A_537 {dimension_numbers = #tpu.dot_dimension_numbers<[1], [0], [0], [1], [0, 0, 1, 1], [], []>, transpose_lhs_hint = false} : vector<1024x64xf32>, vector<64x32xf32>, vector<1024x32xf32> -> vector<1024x32xf32>
    %get3A_539 = arith.constant 0 : index
    %get3A_540 = arith.constant 0 : index
    %get3A_541 = vector.load %arg29[%get3A_539, %get3A_540] : memref<1x32xf32, #tpu.memory_space<vmem>>, vector<1x32xf32>
    %add3A_542 = vector.broadcast %get3A_541 : vector<1x32xf32> to vector<1024x32xf32>
    %add3A_543 = arith.addf %dot_general3A_538, %add3A_542 : vector<1024x32xf32>
    %mul3A = arith.mulf %add3A_507, %add3A_543 : vector<1024x32xf32>
    %reduce_sum3A = arith.constant dense<0.000000e+00> : vector<1024xf32>
    %reduce_sum3A_544 = vector.multi_reduction <add>, %mul3A, %reduce_sum3A [1] : vector<1024x32xf32> to vector<1024xf32>
    %broadcast_in_dim3A_545 = vector.shape_cast %reduce_sum3A_544 : vector<1024xf32> to vector<1024x1xf32>
    %swap3A = arith.constant 0 : index
    %swap3A_546 = arith.constant 0 : index
    %swap3A_547 = vector.load %arg30[%swap3A, %swap3A_546] : memref<1024x1xf32, #tpu.memory_space<vmem>>, vector<1024x1xf32>
    tpu.vector_store %arg30[%swap3A, %swap3A_546], %broadcast_in_dim3A_545 {strides = array<i32>} : memref<1024x1xf32, #tpu.memory_space<vmem>>, vector<1024x1xf32>,
    return
  }
}

</mosaic_0001>

<sc_bundles>
// kernel: sparse-core-data-format-call.1.cloned.1.call-start
scs
called_computation.1_lowered:
.L_overlay_start_0:
0x0: {  	s2 =	sld [smem:$0x3FD9]  }
0x1: {  	s3 =	sld [smem:$0x3FFE];
	_ =	sdelay $0x1  }
0x2: {  	s1 =	srdreg.scid  }
0x3: {  	s0 =	sand.u32 $0x1, s1  }
0x4: {  	s18 =	sshll.u32 s0, $0xA;
	s2 =	sadd.s32 s3, s2  }
0x5: {  	s2 =	sadd.s32 s2, s18  }
0x6: {  	[smem:$0x3F98] =	sst s2  }
0x7: {  	_ = 	snop  }
0x8: {  	s2 =	sld [smem:$0x3FA3];
	(tm) =	ssettm $0x1  }
0x9: {  	s19 =	sld [smem:$0x3FFB];
	_ =	sdelay $0x3  }
0xa: {  	_ =	strace s19  }
0xb: {  	s3 =	sld [smem:$0x3FFC];
	_ =	sdelay $0x3  }
0xc: {  	_ =	strace s3  }
0xd: {  	s3 =	sld [smem:$0x3FFD];
	_ =	sdelay $0x3  }
0xe: {  	_ =	strace s3  }
0xf: {  	_ =	strace $0x8FFFFFFF  }
0x10: {  	s20 =	sld [smem:$0x3FDB];
	_ =	sdelay $0x1  }
0x11: {  	s4 =	simm.s32 $_scs_section_size  }
0x12: {  	s5 =	simm.s32 $_size__tile_overlayer_lowered;
	s6 =	simm.s32 $_tile_overlayer_lowered  }
0x13: {  	s23 =	simm.s32 $0x1BFF;
	s22 =	sshll.u32 s6, $0x1;
	s3 =	sadd.s32 s4, s20  }
0x14: {  	s7 =	simm.s32 $0x0;
	s21 =	sshll.u32 s5, $0x1;
	s5 =	sadd.s32 s22, s3  }
0x15: {  	[timem:s7], [sflag:s23] =	dma.local [hbm:s5], s21  }
0x16: {  	_ =	swait.ge [sflag:s23], s21  }
0x17: {  	s4 =	ssub.s32 $0x0, s21;
	[sflag:s23] =	ssyncset.done $0x0  }
0x18: {  	[sflag:s23] =	ssyncadd.s32 s4;
	_ =	sdelay $0x1  }
0x19: {  	s24 =	simm.s32 $0x1B8B  }
0x1a: {  	_ =	swait.ge [sflag:s24], $0x1  }
0x1b: {  	[sflag:s24] =	ssyncset.done $0x0  }
0x1c: {  	s26 =	simm.s32 $0x1B8E;
	s25 =	sld [smem:$0x3FFE];
	[sflag:s24] =	ssyncadd.s32 $0xFFFFFFFF  }
0x1d: {  	s27 =	simm.s32 $execute0_lowered;
	[smem:$0x3FD2] =	sst s26  }
0x1e: {  	s5 =	sshll.u32 s27, $0x1;
	_ =	strace $0x80000046;
	[dreg:$0x1] =	wrdreg $0xFFFFFFFF  }
0x1f: {  	s28 =	simm.s32 $_size_execute0_lowered;
	s3 =	sadd.s32 s3, s5;
	[dreg:$0x0] =	wrdreg $0x0  }
0x20: {  	s5 =	sshll.u32 s28, $0x1;
	[dreg:$0x2] =	wrdreg s3  }
0x21: {  	[dreg:$0x3] =	wrdreg s5  }
0x22: {  	[dreg:$0x4] =	wrdreg $0xC0  }
0x23: {  	_ =	task [dreg:s7], $0x5FFFF  }
0x24: {  	[dreg:$0x1] =	wrdreg $0xFFFFFFFF  }
0x25: {  	[dreg:$0x0] =	wrdreg $0x60  }
0x26: {  	[dreg:$0x2] =	wrdreg s2  }
0x27: {  	[dreg:$0x3] =	wrdreg s25  }
0x28: {  	[dreg:$0x4] =	wrdreg $0xA  }
0x29: {  	_ =	task.clear_ibuf [dreg:s7], $0x5FFFF;
	_ =	strace $0x90000046  }
0x2a: {  	s29 =	simm.s32 $0xA;
	_ =	strace $0x80000048  }
0x2b: {  	_ =	swait.ge [sflag:s29], $0x1  }
0x2c: {  	[sflag:s29] =	ssyncadd.s32 $0xFFFFFFFF  }
0x2d: {  	_ =	strace $0x90000048  }
0x2e: {  	_ =	sfence  }
0x2f: {  	s30 =	sld [smem:$0x0];
	_ =	sdelay $0x2  }
0x30: {  	s31 =	sshll.u32 s1, $0xD;
	s1 =	sshrl.u32 s1, $0x2  }
0x31: {  	s3 =	sand.u32 $0x4000, s31;
	s1 =	sadd.s32 s1, s30  }
0x32: {  	s0 =	sor.u32 s3, s0;
	s1 =	sshll.u32 s1, $0x11  }
0x33: {  	s0 =	sor.u32 s1, s0  }
0x34: {  	s0 =	sadd.s32 $0x8F2B, s0  }
0x35: {  	[sflag:s0] =	ssyncadd.remote.s32 $0x1  }
0x36: {  	_ =	sfence.sel $0xFFFF  }
0x37: {  	[dreg:$0x0] =	wrdreg $0xFFFFFFFF;
	(pc) =	sbr.abs _section_cstart, $3  }
0x38: {  	[dreg:$0x1] =	wrdreg $0xFFFFFFFF  }
0x39: {  	_ =	task.clear_ibuf [dreg:s7], $0x2FFFF;
	_ =	strace $0x9FFFFFFF  }
0x3a: {  	(tm) =	ssettm $0x7FFFFFFF  }
0x3b: {  	_ =	shalt  }
tec
execute0_lowered:
.L_overlay_start_1:
0x0: {  	(tag) =	ssettag $0x1  }
0x1: {  	s0 =	srdreg.scid;
	s2 =	rddreg [dreg:$0x0]  }
0x2: {  	s5 =	rddreg [dreg:$0x1];
	s1 =	stileid.u32  }
0x3: {  	s4 =	simm.s32 $0x1;
	s6 =	simm.s32 $0x2;
	s15 =	simm.s32 $0x0  }
0x4: {  	p0 =	por $0x0, $0x0;
	s8 =	simm.s32 $0x80;
	s0 =	sshll.u32 s0, $0x4  }
0x5: {  	s14 =	simm.s32 $0x0;
	s9 =	simm.s32 $0x0;
	s3 =	sand.u32 $0x10, s0  }
.Ltmp0:
0x6: {  	s10 =	simm.s32 $0x0;
	s3 =	sor.u32 s1, s3;
	(pc) =	sbr.rel .LBB1_1-.Ltmp0, $4  }
0x7: {  	s0 =	rddreg [dreg:$0x2];
	_ =	strace $0x80000047;
	s3 =	sshll.u32 s3, $0x7  }
0x8: {  	s12 =	simm.s32 $0x0;
	[sflag:s4] =	ssyncpa.u1 $0x0;
	s7 =	ssub.s32 $0xF4200, s3  }
0x9: {  	s13 =	simm.s32 $0x0;
	[sflag:s6] =	ssyncpa.u1 $0x0;
	s6 =	sshrl.u32 s7, $0xC  }
0xa: {  	s5 =	sadd.s32 $0xA400, s5;
	s11 =	smov.u32 s3;
	s7 =	sadd.s32 $0x2, s6  }
.LBB1_5:
0xb: {  	p1 =	slt.u32 s13, $0x2  }
0xc: {  	s17 =	smov.u32 s15;
	p2 =	sgt.s32 @!p1 s15, $0xF41C0;
	s16 =	sshra.s32 @!p1 s15, $0x1F  }
0xd: {  	p3 =	sgt.s32 @!p1 s14, $0x60;
	s18 =	sshra.s32 @!p1 s14, $0x1F;
	p2 =	por !p2, p1  }
0xe: {  	s15 =	sand.u32 @!p1 s16, s15;
	p3 =	por !p3, p1;
	s16 =	smov.u32 s14  }
0xf: {  	s14 =	sand.u32 @!p1 s18, s14;
	s17 =	simm.s32 @p2 $0xF41C0;
	s16 =	simm.s32 @p3 $0x60  }
0x10: {  	s15 =	ssub.s32 @!p1 s17, s15;
	s14 =	ssub.s32 @!p1 s16, s14  }
0x11: {  	s18 =	smov.u32 s12;
	s16 =	sadd.s32 @!p1 $0xFFF0BE40, s15;
	s17 =	sadd.s32 @!p1 $0xFFFFFFA0, s14  }
0x12: {  	s15 =	ssub.s32 @!p1 $0xF4240, s15;
	p2 =	sgt.s32 @!p1 s16, $0x7F;
	p3 =	sgt.s32 @!p1 s17, $0x1F  }
0x13: {  	s14 =	ssub.s32 @!p1 $0x80, s14;
	p2 =	por !p2, p1;
	p3 =	por !p3, p1  }
0x14: {  	s16 =	sadd.s32 $0x1000, s11;
	s15 =	simm.s32 @!p2 $0x0;
	s14 =	simm.s32 @!p3 $0x0  }
0x15: {  	p2 =	sgt.s32 s16, $0xF423F;
	s14 =	smul.u32 @!p1 s14, s15;
	s15 =	sadd.s32 $0x20, s12  }
0x16: {  	s18 =	smov.u32 @p2 s15  }
0x17: {  	s16 =	smov.u32 @p2 s3;
	p2 =	sgt.s32 s18, $0x1F  }
0x18: {  	s18 =	simm.s32 @p2 $0x0;
	p2 =	sne.s32 s13, s7  }
.Ltmp1:
0x19: {  	p0 =	por !p0, !p0;
	s17 =	simm.s32 @!p1 $0x2;
	(pc) =	sbr.rel @!p2 .LBB1_6-.Ltmp1, $4  }
0x1a: {  	s15 =	smov.u32 s9;
	s9 =	smov.u32 s11;
	s14 =	sand.u32 @!p1 $0x3FFFFFFF, s14  }
0x1b: {  	s11 =	smov.u32 s16;
	_ =	swait.ge @!p1 [sflag:s17], s14;
	s19 =	ssub.s32 @!p1 $0x0, s14  }
0x1c: {  	s14 =	smov.u32 s10;
	s13 =	sadd.s32 $0x1, s13;
	[sflag:s17] =	ssyncset.done @!p1 $0x0  }
0x1d: {  	s10 =	smov.u32 s12;
	s12 =	smov.u32 s18;
	[sflag:s17] =	ssyncadd.s32 @!p1 s19  }
.LBB1_1:
0x1e: {  	p1 =	sgt.u32 s13, s6  }
0x1f: {  	s16 =	sshrl.u32 @!p1 s12, $0x3  }
0x20: {  	s17 =	sshll.u32 @!p1 s11, $0x3;
	s16 =	smul.u32 @!p1 $0x7A1400, s16  }
0x21: {  	s18 =	sshll.u32 @!p1 s12, $0x7;
	s17 =	sand.u32 @!p1 $0xFFFFFC00, s17  }
0x22: {  	s16 =	sadd.s32 @!p1 s16, s17;
	s17 =	sand.u32 @!p1 $0x380, s18  }
0x23: {  	s18 =	sand.u32 @!p1 $0x7F, s11;
	s16 =	sor.u32 @!p1 s17, s16  }
0x24: {  	s17 =	sor.u32 @!p1 s18, s16  }
0x25: {  	s18 =	smulhi.u32 @!p1 $0x218D6287, s17;
	_ =	sdelay $0x1  }
0x26: {  	s16 =	smulhi.u32 @!p1 $0x218D6287, s16;
	s18 =	sshrl.u32 @!p1 s18, $0x11  }
0x27: {  	s18 =	smul.u32 @!p1 $0xF4280, s18  }
0x28: {  	s19 =	sxor.u32 @!p1 $0xFFFFFFFF, s13;
	s16 =	sshrl.u32 @!p1 s16, $0x11  }
0x29: {  	s19 =	sshll.u32 @!p1 s19, $0xC;
	s16 =	sand.u32 @!p1 $0x1F, s16;
	s17 =	ssub.s32 @!p1 s17, s18  }
0x2a: {  	s16 =	smul.u32 @!p1 $0x1E850, s16;
	s18 =	sshrl.u32 @!p1 s17, $0x3;
	s17 =	sand.u32 @!p1 $0x7, s17  }
0x2b: {  	s19 =	sand.u32 @!p1 $0x1000, s19;
	s18 =	sadd.s32 @!p1 s2, s18;
	s17 =	sshll.u32 @!p1 s17, $0x12  }
0x2c: {  	s16 =	sadd.s32 @!p1 s16, s18;
	s17 =	sor.u32 @!p1 $0x400, s17;
	s18 =	simm.s32 @!p1 $0x7A1400  }
0x2d: {  	[tilespmem:s19], [sflag:$0x1] =	stream.strided.gather @!p1 [hbm4b:s16+s17], $0x1000, s18, s17, $0x38;
	[tilespmem:$0x4100] =	vst v63  }
0x2e: {  	p1 =	seq.s32 s13, $0x0  }
0x2f: {  	p2 =	sge.u32 @!p1 s13, s7  }
0x30: {  	p1 =	por p1, p2  }
.Ltmp2:
0x31: {  	_ = 	snop;
	(pc) =	sbr.rel @p1 .LBB1_5-.Ltmp2, $1  }
0x32: {  	_ =	sdelay $0x3  }
0x33: {  	s16 =	simm.s32 $0x1  }
0x34: {  	_ =	swait.ge [sflag:s4], $0x1000;
	s16 =	simm.s32 @!p0 $0x0  }
0x35: {  	[sflag:s4] =	ssyncset.done $0x0;
	s17 =	sshll.u32 s16, $0xC  }
0x36: {  	[sflag:s4] =	ssyncadd.s32 $0xFFFFF000;
	s17 =	sor.u32 $0x40, s17  }
0x37: {  	s16 =	smul.u32 $0x4200, s16;
	v0 =	vld [tilespmem:s17+$0x30]  }
0x38: {  	v1 =	vld [tilespmem:s17+$0xFFFFFFD0]  }
0x39: {  	s16 =	sshrl.u32 s16, $0x2;
	v5 =	vld [tilespmem:s17+$0xFFFFFFE0]  }
0x3a: {  	v6 =	vld [tilespmem:s17+$0xFFFFFFF0];
	s19 =	sor.u32 $0x2000, s16  }
0x3b: {  	s31 =	sand.u32 $0x1, s13;
	v4 =	vld [tilespmem:s17+$0x0];
	s18 =	sadd.s32 $0x0, s19  }
0x3c: {  	v3 =	vld [tilespmem:s17+$0x10];
	s16 =	smul.u32 $0x4200, s31;
	[tilespmem:s18+$0xE70 ss:$0x21] =	vst.msk $0xffff, v0  }
0x3d: {  	v2 =	vld [tilespmem:s17+$0x20];
	[tilespmem:s18+$0x210 ss:$0x21] =	vst.msk $0xffff, v1  }
0x3e: {  	s16 =	sshrl.u32 s16, $0x2;
	v1 =	vld [tilespmem:s17+$0xFFFFFFC0];
	[tilespmem:s18+$0x420 ss:$0x21] =	vst.msk $0xffff, v5;
	s17 =	sadd.s32 $0x80, s17  }
0x3f: {  	s20 =	simm.s32 $0x4;
	s21 =	simm.s32 $0x8;
	s16 =	sor.u32 $0x2000, s16;
	[tilespmem:s18+$0x630 ss:$0x21] =	vst.msk $0xffff, v6;
	v0 =	vld [tilespmem:s17+$0x30]  }
.LBB1_3:
0x40: {  	p1 =	sne.s32 s21, $0x7C;
	v5 =	vld [tilespmem:s17+$0xFFFFFFD0];
	[tilespmem:s18+$0x840 ss:$0x21] =	vst.msk $0xffff, v4  }
0x41: {  	v6 =	vld [tilespmem:s17+$0xFFFFFFE0];
	[tilespmem:s18+$0xA50 ss:$0x21] =	vst.msk $0xffff, v3  }
0x42: {  	s22 =	sshra.s32 s20, $0x2;
	s20 =	smov.u32 s21;
	v7 =	vld [tilespmem:s17+$0xFFFFFFF0];
	[tilespmem:s18+$0xC60 ss:$0x21] =	vst.msk $0xffff, v2  }
.Ltmp3:
0x43: {  	v4 =	vld [tilespmem:s17+$0x0];
	[tilespmem:s18+$0x0 ss:$0x21] =	vst.msk $0xffff, v1;
	s18 =	sadd.s32 s22, s19;
	(pc) =	sbr.rel @p1 .LBB1_3-.Ltmp3, $4  }
0x44: {  	v3 =	vld [tilespmem:s17+$0x10];
	[tilespmem:s18+$0xE70 ss:$0x21] =	vst.msk $0xffff, v0  }
0x45: {  	[tilespmem:s18+$0x210 ss:$0x21] =	vst.msk $0xffff, v5;
	v2 =	vld [tilespmem:s17+$0x20]  }
0x46: {  	v1 =	vld [tilespmem:s17+$0xFFFFFFC0];
	[tilespmem:s18+$0x420 ss:$0x21] =	vst.msk $0xffff, v6;
	s17 =	sadd.s32 $0x80, s17  }
0x47: {  	s21 =	sadd.s32 $0x4, s21;
	v0 =	vld [tilespmem:s17+$0x30];
	[tilespmem:s18+$0x630 ss:$0x21] =	vst.msk $0xffff, v7  }
0x48: {  	s21 =	sshll.u32 s9, $0x7;
	s22 =	sshll.u32 s10, $0x3;
	s20 =	sshra.s32 s20, $0x2  }
0x49: {  	p1 =	sgt.s32 s9, $0xF41C0;
	s30 =	sshra.s32 s9, $0x1F;
	s25 =	sshra.s32 s10, $0x1F  }
0x4a: {  	v5 =	vld [tilespmem:s17+$0xFFFFFFD0];
	s28 =	sshrl.u32 s10, $0x3;
	s23 =	sand.u32 $0xFFFFFC00, s21;
	s22 =	sand.u32 $0xFFFFFC00, s22  }
0x4b: {  	[tilespmem:s18+$0x840 ss:$0x21] =	vst.msk $0xffff, v4;
	v58 =	vld [tilespmem:s17+$0xFFFFFFE0];
	s21 =	sand.u32 $0x380, s21;
	s19 =	sadd.s32 s20, s19;
	s22 =	sadd.s32 s22, s23  }
0x4c: {  	v59 =	vld [tilespmem:s17+$0xFFFFFFF0];
	[tilespmem:s18+$0xA50 ss:$0x21] =	vst.msk $0xffff, v3;
	s29 =	sor.u32 s21, s22;
	s21 =	smov.u32 s9;
	s22 =	sand.u32 s30, s9  }
0x4d: {  	v60 =	vld [tilespmem:s17+$0x0];
	[tilespmem:s18+$0xC60 ss:$0x21] =	vst.msk $0xffff, v2;
	s30 =	sand.u32 $0x7, s10;
	s20 =	sshrl.u32 s29, $0x7;
	s21 =	simm.s32 @!p1 $0xF41C0  }
0x4e: {  	v61 =	vld [tilespmem:s17+$0x10];
	[tilespmem:s18+$0x0 ss:$0x21] =	vst.msk $0xffff, v1;
	p1 =	sgt.s32 s10, $0x60;
	s24 =	ssub.s32 s21, s22;
	s21 =	smov.u32 s10  }
0x4f: {  	v62 =	vld [tilespmem:s17+$0x20];
	[tilespmem:s19+$0xE70 ss:$0x21] =	vst.msk $0xffff, v0;
	s31 =	smulhi.u32 $0x218DEF5, s20;
	s22 =	sand.u32 s25, s10;
	s21 =	simm.s32 @!p1 $0x60  }
0x50: {  	v63 =	vld [tilespmem:s17+$0xFFFFFFC0];
	[tilespmem:s19+$0x210 ss:$0x21] =	vst.msk $0xffff, v5;
	s26 =	sadd.s32 $0xFFF0BE40, s24;
	s17 =	ssub.s32 $0xF4240, s24;
	s21 =	ssub.s32 s21, s22  }
0x51: {  	[tilespmem:s19+$0x420 ss:$0x21] =	vst.msk $0xffff, v58;
	s23 =	sshrl.u32 s31, $0xD;
	p1 =	sgt.s32 s26, $0x7F;
	s27 =	sadd.s32 $0xFFFFFFA0, s21  }
0x52: {  	[tilespmem:s19+$0x630 ss:$0x21] =	vst.msk $0xffff, v59;
	s23 =	smul.u32 $0xF4240, s23;
	s18 =	ssub.s32 $0x80, s21;
	p2 =	sgt.s32 s27, $0x1F  }
.Ltmp4:
0x53: {  	[tilespmem:s19+$0x840 ss:$0x21] =	vst.msk $0xffff, v60;
	s17 =	simm.s32 @p1 $0x0;
	s18 =	simm.s32 @p2 $0x0;
	(pc) =	sbr.rel .LBB1_5-.Ltmp4, $4  }
0x54: {  	s29 =	sand.u32 $0xF, s28;
	[tilespmem:s19+$0xA50 ss:$0x21] =	vst.msk $0xffff, v61;
	s20 =	ssub.s32 s20, s23;
	s17 =	smul.u32 s18, s17  }
0x55: {  	[tilespmem:s19+$0xC60 ss:$0x21] =	vst.msk $0xffff, v62;
	s21 =	sshll.u32 s30, $0x12;
	s20 =	sshll.u32 s20, $0x4;
	s18 =	sadd.s32 s5, s29  }
0x56: {  	[tilespmem:s19+$0x0 ss:$0x21] =	vst.msk $0xffff, v63;
	s31 =	sor.u32 $0x20, s21;
	s18 =	sadd.s32 s20, s18;
	s17 =	sand.u32 $0x3FFFFFFF, s17  }
0x57: {  	[hbm4b:s18+s31] =	stream.strided.scatter [tilespmem:s16], [sflag:$0x2], s17, s8, s31, $0x10;
	[tilespmem:$0x4100] =	vst v63  }
.LBB1_6:
0x58: {  	_ =	sfence.sel $0x180000  }
0x59: {  	s2 =	simm.s32 $0x1;
	[bflag:$0x0] =	sbarrier.arrive $0xFFFF  }
0x5a: {  	s31 =	simm.s32 $0x2;
	[sflag:s2] =	ssyncpa.u1 $0x1  }
0x5b: {  	[sflag:s31] =	ssyncpa.u1 $0x1  }
0x5c: {  	p0 =	sne.s32 s1, $0x0;
	_ =	strace $0x90000047  }
0x5d: {  	s0 =	sadd.s32 @!p0 $0x100000, s0;
	[bflag:$0x2] =	sbarrier.arrive $0xFFFF  }
0x5e: {  	[sflag:s0] =	ssyncadd.tile.s32 @!p0 $0x1;
	_ =	shalt  }
.Lfunc_end1:
_tile_overlayer_lowered:
.L_overlay_start_2:
0x5f: {  	(tag) =	ssettag $0x2  }
0x60: {  	s0 =	rddreg [dreg:$0x0];
	s2 =	stileid.u32  }
0x61: {  	s1 =	rddreg [dreg:$0x1];
	p0 =	sne.s32 s2, $0x0  }
0x62: {  	s3 =	rddreg [dreg:$0x2];
	[bflag:$0x3] =	sbarrier.arrive $0xFFFF;
	s2 =	simm.s32 @!p0 $0x1C01  }
0x63: {  	[timem:s3], [sflag:s2] =	dma.local @!p0 [hbm:s0], s1  }
0x64: {  	s0 =	simm.s32 @!p0 $0x1  }
0x65: {  	_ =	swait.ge @!p0 [sflag:s0], s1  }
0x66: {  	s1 =	ssub.s32 @!p0 $0x0, s1;
	[sflag:s0] =	ssyncset.done @!p0 $0x0  }
0x67: {  	[sflag:s0] =	ssyncadd.s32 @!p0 s1  }
0x68: {  	[bflag:$0x3] =	sbarrier.arrive $0xFFFF  }
0x69: {  	_ =	shalt  }

// kernel: sparse-core-data-format-call.cloned.1.call-start
scs
called_computation_lowered:
.L_overlay_start_0:
0x0: {  	s2 =	sld [smem:$0x3FD9]  }
0x1: {  	s3 =	sld [smem:$0x3FFE];
	_ =	sdelay $0x1  }
0x2: {  	s1 =	srdreg.scid  }
0x3: {  	s0 =	sand.u32 $0x1, s1  }
0x4: {  	s18 =	sshll.u32 s0, $0xA;
	s2 =	sadd.s32 s3, s2  }
0x5: {  	s2 =	sadd.s32 s2, s18  }
0x6: {  	[smem:$0x3F98] =	sst s2  }
0x7: {  	_ = 	snop  }
0x8: {  	s19 =	sld [smem:$0x3F9B];
	(tm) =	ssettm $0x1  }
0x9: {  	s20 =	sld [smem:$0x3FFB];
	_ =	sdelay $0x3  }
0xa: {  	_ =	strace s20  }
0xb: {  	s2 =	sld [smem:$0x3FFC];
	_ =	sdelay $0x3  }
0xc: {  	_ =	strace s2  }
0xd: {  	s2 =	sld [smem:$0x3FFD];
	_ =	sdelay $0x3  }
0xe: {  	_ =	strace s2  }
0xf: {  	_ =	strace $0x8FFFFFFF  }
0x10: {  	s21 =	sld [smem:$0x3FDB];
	_ =	sdelay $0x1  }
0x11: {  	s4 =	simm.s32 $_scs_section_size  }
0x12: {  	s5 =	simm.s32 $_size__tile_overlayer_lowered;
	s6 =	simm.s32 $_tile_overlayer_lowered  }
0x13: {  	s7 =	simm.s32 $0x1BFF;
	s22 =	sshll.u32 s6, $0x1;
	s4 =	sadd.s32 s4, s21  }
0x14: {  	s23 =	simm.s32 $0x0;
	s5 =	sshll.u32 s5, $0x1;
	s6 =	sadd.s32 s22, s4  }
0x15: {  	[timem:s23], [sflag:s7] =	dma.local [hbm:s6], s5  }
0x16: {  	_ =	swait.ge [sflag:s7], s5  }
0x17: {  	s5 =	ssub.s32 $0x0, s5;
	[sflag:s7] =	ssyncset.done $0x0  }
0x18: {  	[sflag:s7] =	ssyncadd.s32 s5;
	_ =	sdelay $0x1  }
0x19: {  	s24 =	simm.s32 $0x1B8B  }
0x1a: {  	_ =	swait.ge [sflag:s24], $0x1  }
0x1b: {  	[sflag:s24] =	ssyncset.done $0x0  }
0x1c: {  	[sflag:s24] =	ssyncadd.s32 $0xFFFFFFFF  }
0x1d: {  	s5 =	sld [smem:$0x0]  }
0x1e: {  	s6 =	sand.u32 $0xFFFFFFFE, s1  }
0x1f: {  	p0 =	sne.s32 s1, s6  }
0x20: {  	s6 =	sshll.u32 @p0 s6, $0xE  }
0x21: {  	s6 =	sadd.s32 @p0 $0x11B8D, s6;
	s7 =	sshll.u32 @p0 s5, $0x11  }
0x22: {  	s6 =	sor.u32 @p0 s7, s6  }
0x23: {  	[sflag:s6] =	ssyncadd.remote.s32 @p0 $0x1;
	_ =	sdelay $0x1  }
0x24: {  	s6 =	simm.s32 @p0 $0x1B8D  }
0x25: {  	_ =	swait.eq @p0 [sflag:s6], $0x1  }
0x26: {  	[sflag:s6] =	ssyncadd.s32 @p0 $0xFFFFFFFF  }
0x27: {  	s7 =	sshll.u32 @!p0 s1, $0xE  }
0x28: {  	s7 =	sor.u32 @!p0 $0x4000, s7;
	s6 =	simm.s32 @!p0 $0x1B8D  }
0x29: {  	s5 =	sshll.u32 @!p0 s5, $0x11;
	s7 =	sadd.s32 @!p0 $0x11B8D, s7;
	_ =	swait.eq @!p0 [sflag:s6], $0x1  }
0x2a: {  	s5 =	sor.u32 @!p0 s5, s7;
	[sflag:s6] =	ssyncadd.s32 @!p0 $0xFFFFFFFF  }
0x2b: {  	s26 =	simm.s32 $0x1B8E;
	s25 =	sld [smem:$0x3FFE];
	[sflag:s5] =	ssyncadd.remote.s32 @!p0 $0x1  }
0x2c: {  	s27 =	simm.s32 $execute0_lowered;
	[smem:$0x3FD2] =	sst s26  }
0x2d: {  	s6 =	sshll.u32 s27, $0x1;
	_ =	strace $0x80000049;
	[dreg:$0x1] =	wrdreg $0xFFFFFFFF  }
0x2e: {  	s28 =	simm.s32 $_size_execute0_lowered;
	s4 =	sadd.s32 s4, s6;
	[dreg:$0x0] =	wrdreg $0x0  }
0x2f: {  	s6 =	sshll.u32 s28, $0x1;
	[dreg:$0x2] =	wrdreg s4  }
0x30: {  	[dreg:$0x3] =	wrdreg s6  }
0x31: {  	[dreg:$0x4] =	wrdreg $0xC0  }
0x32: {  	_ =	task [dreg:s23], $0x5FFFF  }
0x33: {  	[dreg:$0x1] =	wrdreg $0xFFFFFFFF  }
0x34: {  	[dreg:$0x0] =	wrdreg $0x60  }
0x35: {  	[dreg:$0x2] =	wrdreg s19  }
0x36: {  	[dreg:$0x3] =	wrdreg s25  }
0x37: {  	[dreg:$0x4] =	wrdreg $0x9  }
0x38: {  	_ =	task.clear_ibuf [dreg:s23], $0x5FFFF;
	_ =	strace $0x90000049  }
0x39: {  	s29 =	simm.s32 $0x9;
	_ =	strace $0x8000004B  }
0x3a: {  	_ =	swait.ge [sflag:s29], $0x1  }
0x3b: {  	[sflag:s29] =	ssyncadd.s32 $0xFFFFFFFF  }
0x3c: {  	_ =	strace $0x9000004B  }
0x3d: {  	_ =	sfence  }
0x3e: {  	s30 =	sld [smem:$0x0];
	_ =	sdelay $0x2  }
0x3f: {  	s31 =	sshll.u32 s1, $0xD;
	s1 =	sshrl.u32 s1, $0x2  }
0x40: {  	s4 =	sand.u32 $0x4000, s31;
	s1 =	sadd.s32 s1, s30  }
0x41: {  	s0 =	sor.u32 s4, s0;
	s1 =	sshll.u32 s1, $0x11  }
0x42: {  	s0 =	sor.u32 s1, s0  }
0x43: {  	s0 =	sadd.s32 $0x8F2B, s0  }
0x44: {  	[sflag:s0] =	ssyncadd.remote.s32 $0x1  }
0x45: {  	_ =	sfence.sel $0xFFFF  }
0x46: {  	[dreg:$0x0] =	wrdreg $0xFFFFFFFF;
	(pc) =	sbr.abs _section_cstart, $3  }
0x47: {  	[dreg:$0x1] =	wrdreg $0xFFFFFFFF  }
0x48: {  	_ =	task.clear_ibuf [dreg:s23], $0x2FFFF;
	_ =	strace $0x9FFFFFFF  }
0x49: {  	(tm) =	ssettm $0x7FFFFFFF  }
tec
execute0_lowered:
.L_overlay_start_1:
0x0: {  	(tag) =	ssettag $0x1  }
0x1: {  	s0 =	srdreg.scid;
	s2 =	rddreg [dreg:$0x0]  }
0x2: {  	s5 =	rddreg [dreg:$0x1];
	s1 =	stileid.u32  }
0x3: {  	s4 =	simm.s32 $0x1;
	s6 =	simm.s32 $0x2;
	s15 =	simm.s32 $0x0  }
0x4: {  	p0 =	por $0x0, $0x0;
	s8 =	simm.s32 $0x80;
	s0 =	sshll.u32 s0, $0x4  }
0x5: {  	s14 =	simm.s32 $0x0;
	s9 =	simm.s32 $0x0;
	s3 =	sand.u32 $0x10, s0  }
.Ltmp0:
0x6: {  	s10 =	simm.s32 $0x0;
	s3 =	sor.u32 s1, s3;
	(pc) =	sbr.rel .LBB1_1-.Ltmp0, $4  }
0x7: {  	s0 =	rddreg [dreg:$0x2];
	_ =	strace $0x8000004A;
	s3 =	sshll.u32 s3, $0x7  }
0x8: {  	s12 =	simm.s32 $0x0;
	[sflag:s4] =	ssyncpa.u1 $0x0;
	s7 =	ssub.s32 $0xF4200, s3  }
0x9: {  	s13 =	simm.s32 $0x0;
	[sflag:s6] =	ssyncpa.u1 $0x0;
	s6 =	sshrl.u32 s7, $0xC  }
0xa: {  	s5 =	sadd.s32 $0xF4C800, s5;
	s11 =	smov.u32 s3;
	s7 =	sadd.s32 $0x2, s6  }
.LBB1_5:
0xb: {  	p1 =	slt.u32 s13, $0x2  }
0xc: {  	s17 =	smov.u32 s15;
	p2 =	sgt.s32 @!p1 s15, $0xF41C0;
	s16 =	sshra.s32 @!p1 s15, $0x1F  }
0xd: {  	p3 =	sgt.s32 @!p1 s14, $0x60;
	s18 =	sshra.s32 @!p1 s14, $0x1F;
	p2 =	por !p2, p1  }
0xe: {  	s15 =	sand.u32 @!p1 s16, s15;
	p3 =	por !p3, p1;
	s16 =	smov.u32 s14  }
0xf: {  	s14 =	sand.u32 @!p1 s18, s14;
	s17 =	simm.s32 @p2 $0xF41C0;
	s16 =	simm.s32 @p3 $0x60  }
0x10: {  	s15 =	ssub.s32 @!p1 s17, s15;
	s14 =	ssub.s32 @!p1 s16, s14  }
0x11: {  	s18 =	smov.u32 s12;
	s16 =	sadd.s32 @!p1 $0xFFF0BE40, s15;
	s17 =	sadd.s32 @!p1 $0xFFFFFFA0, s14  }
0x12: {  	s15 =	ssub.s32 @!p1 $0xF4240, s15;
	p2 =	sgt.s32 @!p1 s16, $0x7F;
	p3 =	sgt.s32 @!p1 s17, $0x1F  }
0x13: {  	s14 =	ssub.s32 @!p1 $0x80, s14;
	p2 =	por !p2, p1;
	p3 =	por !p3, p1  }
0x14: {  	s16 =	sadd.s32 $0x1000, s11;
	s15 =	simm.s32 @!p2 $0x0;
	s14 =	simm.s32 @!p3 $0x0  }
0x15: {  	p2 =	sgt.s32 s16, $0xF423F;
	s14 =	smul.u32 @!p1 s14, s15;
	s15 =	sadd.s32 $0x20, s12  }
0x16: {  	s18 =	smov.u32 @p2 s15  }
0x17: {  	s16 =	smov.u32 @p2 s3;
	p2 =	sgt.s32 s18, $0x1F  }
0x18: {  	s18 =	simm.s32 @p2 $0x0;
	p2 =	sne.s32 s13, s7  }
.Ltmp1:
0x19: {  	p0 =	por !p0, !p0;
	s17 =	simm.s32 @!p1 $0x2;
	(pc) =	sbr.rel @!p2 .LBB1_6-.Ltmp1, $4  }
0x1a: {  	s15 =	smov.u32 s9;
	s9 =	smov.u32 s11;
	s14 =	sand.u32 @!p1 $0x3FFFFFFF, s14  }
0x1b: {  	s11 =	smov.u32 s16;
	_ =	swait.ge @!p1 [sflag:s17], s14;
	s19 =	ssub.s32 @!p1 $0x0, s14  }
0x1c: {  	s14 =	smov.u32 s10;
	s13 =	sadd.s32 $0x1, s13;
	[sflag:s17] =	ssyncset.done @!p1 $0x0  }
0x1d: {  	s10 =	smov.u32 s12;
	s12 =	smov.u32 s18;
	[sflag:s17] =	ssyncadd.s32 @!p1 s19  }
.LBB1_1:
0x1e: {  	p1 =	sgt.u32 s13, s6  }
0x1f: {  	s16 =	sshrl.u32 @!p1 s12, $0x3  }
0x20: {  	s17 =	sshll.u32 @!p1 s11, $0x3;
	s16 =	smul.u32 @!p1 $0x7A1400, s16  }
0x21: {  	s18 =	sshll.u32 @!p1 s12, $0x7;
	s17 =	sand.u32 @!p1 $0xFFFFFC00, s17  }
0x22: {  	s16 =	sadd.s32 @!p1 s16, s17;
	s17 =	sand.u32 @!p1 $0x380, s18  }
0x23: {  	s18 =	sand.u32 @!p1 $0x7F, s11;
	s16 =	sor.u32 @!p1 s17, s16  }
0x24: {  	s17 =	sor.u32 @!p1 s18, s16  }
0x25: {  	s18 =	smulhi.u32 @!p1 $0x218D6287, s17;
	_ =	sdelay $0x1  }
0x26: {  	s16 =	smulhi.u32 @!p1 $0x218D6287, s16;
	s18 =	sshrl.u32 @!p1 s18, $0x11  }
0x27: {  	s18 =	smul.u32 @!p1 $0xF4280, s18  }
0x28: {  	s19 =	sxor.u32 @!p1 $0xFFFFFFFF, s13;
	s16 =	sshrl.u32 @!p1 s16, $0x11  }
0x29: {  	s19 =	sshll.u32 @!p1 s19, $0xC;
	s16 =	sand.u32 @!p1 $0x1F, s16;
	s17 =	ssub.s32 @!p1 s17, s18  }
0x2a: {  	s16 =	smul.u32 @!p1 $0x1E850, s16;
	s18 =	sshrl.u32 @!p1 s17, $0x3;
	s17 =	sand.u32 @!p1 $0x7, s17  }
0x2b: {  	s19 =	sand.u32 @!p1 $0x1000, s19;
	s18 =	sadd.s32 @!p1 s2, s18;
	s17 =	sshll.u32 @!p1 s17, $0x12  }
0x2c: {  	s16 =	sadd.s32 @!p1 s16, s18;
	s17 =	sor.u32 @!p1 $0x400, s17;
	s18 =	simm.s32 @!p1 $0x7A1400  }
0x2d: {  	[tilespmem:s19], [sflag:$0x1] =	stream.strided.gather @!p1 [hbm4b:s16+s17], $0x1000, s18, s17, $0x38;
	[tilespmem:$0x4100] =	vst v63  }
0x2e: {  	p1 =	seq.s32 s13, $0x0  }
0x2f: {  	p2 =	sge.u32 @!p1 s13, s7  }
0x30: {  	p1 =	por p1, p2  }
.Ltmp2:
0x31: {  	_ = 	snop;
	(pc) =	sbr.rel @p1 .LBB1_5-.Ltmp2, $1  }
0x32: {  	_ =	sdelay $0x3  }
0x33: {  	s16 =	simm.s32 $0x1  }
0x34: {  	_ =	swait.ge [sflag:s4], $0x1000;
	s16 =	simm.s32 @!p0 $0x0  }
0x35: {  	[sflag:s4] =	ssyncset.done $0x0;
	s17 =	sshll.u32 s16, $0xC  }
0x36: {  	[sflag:s4] =	ssyncadd.s32 $0xFFFFF000;
	s17 =	sor.u32 $0x40, s17  }
0x37: {  	s16 =	smul.u32 $0x4200, s16;
	v0 =	vld [tilespmem:s17+$0x30]  }
0x38: {  	v1 =	vld [tilespmem:s17+$0xFFFFFFD0]  }
0x39: {  	s16 =	sshrl.u32 s16, $0x2;
	v5 =	vld [tilespmem:s17+$0xFFFFFFE0]  }
0x3a: {  	v6 =	vld [tilespmem:s17+$0xFFFFFFF0];
	s19 =	sor.u32 $0x2000, s16  }
0x3b: {  	s31 =	sand.u32 $0x1, s13;
	v4 =	vld [tilespmem:s17+$0x0];
	s18 =	sadd.s32 $0x0, s19  }
0x3c: {  	v3 =	vld [tilespmem:s17+$0x10];
	s16 =	smul.u32 $0x4200, s31;
	[tilespmem:s18+$0xE70 ss:$0x21] =	vst.msk $0xffff, v0  }
0x3d: {  	v2 =	vld [tilespmem:s17+$0x20];
	[tilespmem:s18+$0x210 ss:$0x21] =	vst.msk $0xffff, v1  }
0x3e: {  	s16 =	sshrl.u32 s16, $0x2;
	v1 =	vld [tilespmem:s17+$0xFFFFFFC0];
	[tilespmem:s18+$0x420 ss:$0x21] =	vst.msk $0xffff, v5;
	s17 =	sadd.s32 $0x80, s17  }
0x3f: {  	s20 =	simm.s32 $0x4;
	s21 =	simm.s32 $0x8;
	s16 =	sor.u32 $0x2000, s16;
	[tilespmem:s18+$0x630 ss:$0x21] =	vst.msk $0xffff, v6;
	v0 =	vld [tilespmem:s17+$0x30]  }
.LBB1_3:
0x40: {  	p1 =	sne.s32 s21, $0x7C;
	v5 =	vld [tilespmem:s17+$0xFFFFFFD0];
	[tilespmem:s18+$0x840 ss:$0x21] =	vst.msk $0xffff, v4  }
0x41: {  	v6 =	vld [tilespmem:s17+$0xFFFFFFE0];
	[tilespmem:s18+$0xA50 ss:$0x21] =	vst.msk $0xffff, v3  }
0x42: {  	s22 =	sshra.s32 s20, $0x2;
	s20 =	smov.u32 s21;
	v7 =	vld [tilespmem:s17+$0xFFFFFFF0];
	[tilespmem:s18+$0xC60 ss:$0x21] =	vst.msk $0xffff, v2  }
.Ltmp3:
0x43: {  	v4 =	vld [tilespmem:s17+$0x0];
	[tilespmem:s18+$0x0 ss:$0x21] =	vst.msk $0xffff, v1;
	s18 =	sadd.s32 s22, s19;
	(pc) =	sbr.rel @p1 .LBB1_3-.Ltmp3, $4  }
0x44: {  	v3 =	vld [tilespmem:s17+$0x10];
	[tilespmem:s18+$0xE70 ss:$0x21] =	vst.msk $0xffff, v0  }
0x45: {  	[tilespmem:s18+$0x210 ss:$0x21] =	vst.msk $0xffff, v5;
	v2 =	vld [tilespmem:s17+$0x20]  }
0x46: {  	v1 =	vld [tilespmem:s17+$0xFFFFFFC0];
	[tilespmem:s18+$0x420 ss:$0x21] =	vst.msk $0xffff, v6;
	s17 =	sadd.s32 $0x80, s17  }
0x47: {  	s21 =	sadd.s32 $0x4, s21;
	v0 =	vld [tilespmem:s17+$0x30];
	[tilespmem:s18+$0x630 ss:$0x21] =	vst.msk $0xffff, v7  }
0x48: {  	s21 =	sshll.u32 s9, $0x7;
	s22 =	sshll.u32 s10, $0x3;
	s20 =	sshra.s32 s20, $0x2  }
0x49: {  	p1 =	sgt.s32 s9, $0xF41C0;
	s30 =	sshra.s32 s9, $0x1F;
	s25 =	sshra.s32 s10, $0x1F  }
0x4a: {  	v5 =	vld [tilespmem:s17+$0xFFFFFFD0];
	s28 =	sshrl.u32 s10, $0x3;
	s23 =	sand.u32 $0xFFFFFC00, s21;
	s22 =	sand.u32 $0xFFFFFC00, s22  }
0x4b: {  	[tilespmem:s18+$0x840 ss:$0x21] =	vst.msk $0xffff, v4;
	v58 =	vld [tilespmem:s17+$0xFFFFFFE0];
	s21 =	sand.u32 $0x380, s21;
	s19 =	sadd.s32 s20, s19;
	s22 =	sadd.s32 s22, s23  }
0x4c: {  	v59 =	vld [tilespmem:s17+$0xFFFFFFF0];
	[tilespmem:s18+$0xA50 ss:$0x21] =	vst.msk $0xffff, v3;
	s29 =	sor.u32 s21, s22;
	s21 =	smov.u32 s9;
	s22 =	sand.u32 s30, s9  }
0x4d: {  	v60 =	vld [tilespmem:s17+$0x0];
	[tilespmem:s18+$0xC60 ss:$0x21] =	vst.msk $0xffff, v2;
	s30 =	sand.u32 $0x7, s10;
	s20 =	sshrl.u32 s29, $0x7;
	s21 =	simm.s32 @!p1 $0xF41C0  }
0x4e: {  	v61 =	vld [tilespmem:s17+$0x10];
	[tilespmem:s18+$0x0 ss:$0x21] =	vst.msk $0xffff, v1;
	p1 =	sgt.s32 s10, $0x60;
	s24 =	ssub.s32 s21, s22;
	s21 =	smov.u32 s10  }
0x4f: {  	v62 =	vld [tilespmem:s17+$0x20];
	[tilespmem:s19+$0xE70 ss:$0x21] =	vst.msk $0xffff, v0;
	s31 =	smulhi.u32 $0x218DEF5, s20;
	s22 =	sand.u32 s25, s10;
	s21 =	simm.s32 @!p1 $0x60  }
0x50: {  	v63 =	vld [tilespmem:s17+$0xFFFFFFC0];
	[tilespmem:s19+$0x210 ss:$0x21] =	vst.msk $0xffff, v5;
	s26 =	sadd.s32 $0xFFF0BE40, s24;
	s17 =	ssub.s32 $0xF4240, s24;
	s21 =	ssub.s32 s21, s22  }
0x51: {  	[tilespmem:s19+$0x420 ss:$0x21] =	vst.msk $0xffff, v58;
	s23 =	sshrl.u32 s31, $0xD;
	p1 =	sgt.s32 s26, $0x7F;
	s27 =	sadd.s32 $0xFFFFFFA0, s21  }
0x52: {  	[tilespmem:s19+$0x630 ss:$0x21] =	vst.msk $0xffff, v59;
	s23 =	smul.u32 $0xF4240, s23;
	s18 =	ssub.s32 $0x80, s21;
	p2 =	sgt.s32 s27, $0x1F  }
.Ltmp4:
0x53: {  	[tilespmem:s19+$0x840 ss:$0x21] =	vst.msk $0xffff, v60;
	s17 =	simm.s32 @p1 $0x0;
	s18 =	simm.s32 @p2 $0x0;
	(pc) =	sbr.rel .LBB1_5-.Ltmp4, $4  }
0x54: {  	s29 =	sand.u32 $0xF, s28;
	[tilespmem:s19+$0xA50 ss:$0x21] =	vst.msk $0xffff, v61;
	s20 =	ssub.s32 s20, s23;
	s17 =	smul.u32 s18, s17  }
0x55: {  	[tilespmem:s19+$0xC60 ss:$0x21] =	vst.msk $0xffff, v62;
	s21 =	sshll.u32 s30, $0x12;
	s20 =	sshll.u32 s20, $0x4;
	s18 =	sadd.s32 s5, s29  }
0x56: {  	[tilespmem:s19+$0x0 ss:$0x21] =	vst.msk $0xffff, v63;
	s31 =	sor.u32 $0x20, s21;
	s18 =	sadd.s32 s20, s18;
	s17 =	sand.u32 $0x3FFFFFFF, s17  }
0x57: {  	[hbm4b:s18+s31] =	stream.strided.scatter [tilespmem:s16], [sflag:$0x2], s17, s8, s31, $0x10;
	[tilespmem:$0x4100] =	vst v63  }
.LBB1_6:
0x58: {  	_ =	sfence.sel $0x180000  }
0x59: {  	s2 =	simm.s32 $0x1;
	[bflag:$0x0] =	sbarrier.arrive $0xFFFF  }
0x5a: {  	s31 =	simm.s32 $0x2;
	[sflag:s2] =	ssyncpa.u1 $0x1  }
0x5b: {  	[sflag:s31] =	ssyncpa.u1 $0x1  }
0x5c: {  	p0 =	sne.s32 s1, $0x0;
	_ =	strace $0x9000004A  }
0x5d: {  	s0 =	sadd.s32 @!p0 $0x100000, s0;
	[bflag:$0x2] =	sbarrier.arrive $0xFFFF  }
0x5e: {  	[sflag:s0] =	ssyncadd.tile.s32 @!p0 $0x1;
	_ =	shalt  }
.Lfunc_end1:
_tile_overlayer_lowered:
.L_overlay_start_2:
0x5f: {  	(tag) =	ssettag $0x2  }
0x60: {  	s0 =	rddreg [dreg:$0x0];
	s2 =	stileid.u32  }
0x61: {  	s1 =	rddreg [dreg:$0x1];
	p0 =	sne.s32 s2, $0x0  }
0x62: {  	s3 =	rddreg [dreg:$0x2];
	[bflag:$0x3] =	sbarrier.arrive $0xFFFF;
	s2 =	simm.s32 @!p0 $0x1C01  }
0x63: {  	[timem:s3], [sflag:s2] =	dma.local @!p0 [hbm:s0], s1  }
0x64: {  	s0 =	simm.s32 @!p0 $0x1  }
0x65: {  	_ =	swait.ge @!p0 [sflag:s0], s1  }
0x66: {  	s1 =	ssub.s32 @!p0 $0x0, s1;
	[sflag:s0] =	ssyncset.done @!p0 $0x0  }
0x67: {  	[sflag:s0] =	ssyncadd.s32 @!p0 s1  }
0x68: {  	[bflag:$0x3] =	sbarrier.arrive $0xFFFF  }
0x69: {  	_ =	shalt  }

</sc_bundles>
